<compile_context>
chip_gen: v7x
topology: tpu7x:2x2x1
jax: 0.10.2.dev20260603
libtpu: 0.0.44.dev20260713+nightly
codegen_flags: <defaults>
</compile_context>

<pallas_src>
import functools

import jax
import jax.numpy as jnp
from jax import lax
from jax.experimental import pallas as pl
from jax.experimental.pallas import tpu as pltpu
from jax.experimental.pallas import tpu_sc as plsc

N = 10000
E = 320000
D = 128

NC = 2
NS = 16
NW = NC * NS
EPW = E // NW
CH = 104
NCH = 96
TAIL = EPW - NCH * CH
NPAD = 10112
RPT = NPAD // NS

_mesh = plsc.VectorSubcoreMesh(core_axis_name="c", subcore_axis_name="s")


@functools.partial(
    pl.kernel,
    out_type=jax.ShapeDtypeStruct((NW, NPAD), jnp.float32),
    mesh=_mesh,
    scratch_types=[
        pltpu.VMEM((EPW,), jnp.int32),
        pltpu.VMEM((NPAD,), jnp.float32),
        pltpu.SemaphoreType.DMA,
        pltpu.SemaphoreType.DMA,
    ],
    compiler_params=pltpu.CompilerParams(needs_layout_passes=False),
)
def _deg_kernel(dst_hbm, zeros_hbm, out_hbm, dst_v, deg_v, sem_a, sem_b):
    c = lax.axis_index("c")
    s = lax.axis_index("s")
    wid = s * NC + c
    p0 = pltpu.make_async_copy(dst_hbm.at[pl.ds(wid * EPW, EPW)], dst_v,
                               sem_a)
    p1 = pltpu.make_async_copy(zeros_hbm, deg_v, sem_b)
    p0.start()
    p1.start()
    p0.wait()
    p1.wait()
    ones = jnp.full((16,), 1.0, dtype=jnp.float32)

    def body(i, carry):
        base = i * 80
        for u in range(5):
            idx = dst_v[pl.ds(base + u * 16, 16)]
            plsc.addupdate_scatter(deg_v, [idx], ones)
        return carry

    lax.fori_loop(0, EPW // 80, body, 0)
    pltpu.sync_copy(deg_v, out_hbm.at[wid])


@functools.partial(
    pl.kernel,
    out_type=jax.ShapeDtypeStruct((NC, NPAD, D), jnp.float32),
    mesh=_mesh,
    scratch_types=[
        pltpu.VMEM((EPW,), jnp.int32),
        pltpu.VMEM((NCH, CH), jnp.int32),
        pltpu.VMEM((TAIL,), jnp.int32),
        pltpu.VMEM((CH, D), jnp.float32),
        pltpu.VMEM((CH, D), jnp.float32),
        pltpu.SemaphoreType.DMA,
        pltpu.SemaphoreType.DMA,
        pltpu.VMEM_SHARED((NPAD, D), jnp.float32),
    ],
)
def _agg_kernel(h_hbm, src_hbm, dst_hbm, dstt_hbm, zrows_hbm, out_hbm,
                src_v, dst_v, dstt_v, rows_a, rows_b, sem_a, sem_b, acc_sh):
    c = lax.axis_index("c")
    s = lax.axis_index("s")
    wid = s * NC + c
    p0 = pltpu.make_async_copy(zrows_hbm, acc_sh.at[pl.ds(s * RPT, RPT)],
                               sem_a)
    p1 = pltpu.make_async_copy(src_hbm.at[wid], src_v, sem_b)
    p2 = pltpu.make_async_copy(dst_hbm.at[wid], dst_v, sem_a)
    p3 = pltpu.make_async_copy(dstt_hbm.at[wid], dstt_v, sem_b)
    p0.start()
    p1.start()
    p2.start()
    p3.start()
    p0.wait()
    p1.wait()
    p2.wait()
    p3.wait()
    plsc.subcore_barrier()

    def g(j, rows, sem):
        return pltpu.make_async_copy(
            h_hbm.at[src_v.at[pl.ds(j * CH, CH)]], rows, sem)

    g(0, rows_a, sem_a).start()

    def step(k, carry):
        j0 = 2 * k
        g(j0 + 1, rows_b, sem_b).start()
        g(j0, rows_a, sem_a).wait()
        pltpu.sync_copy(rows_a, acc_sh.at[dst_v.at[j0]], add=True)
        g(j0 + 2, rows_a, sem_a).start()
        g(j0 + 1, rows_b, sem_b).wait()
        pltpu.sync_copy(rows_b, acc_sh.at[dst_v.at[j0 + 1]], add=True)
        return carry

    lax.fori_loop(0, (NCH - 2) // 2, step, 0)
    g(NCH - 1, rows_b, sem_b).start()
    g(NCH - 2, rows_a, sem_a).wait()
    pltpu.sync_copy(rows_a, acc_sh.at[dst_v.at[NCH - 2]], add=True)
    g(NCH - 1, rows_b, sem_b).wait()
    pltpu.sync_copy(rows_b, acc_sh.at[dst_v.at[NCH - 1]], add=True)
    tg = pltpu.make_async_copy(
        h_hbm.at[src_v.at[pl.ds(NCH * CH, TAIL)]],
        rows_a.at[pl.ds(0, TAIL)], sem_a)
    tg.start()
    tg.wait()
    pltpu.sync_copy(rows_a.at[pl.ds(0, TAIL)], acc_sh.at[dstt_v], add=True)
    plsc.subcore_barrier()
    pltpu.sync_copy(acc_sh.at[pl.ds(s * RPT, RPT)],
                    out_hbm.at[c, pl.ds(s * RPT, RPT)])


def _tc1_body(x_ref, w1_ref, degp_ref, h1p_ref, dis_ref):
    degp = degp_ref[...]
    ones = jnp.ones((NW, 1), dtype=jnp.float32)
    deg = lax.dot_general(degp, ones, (((0,), (0,)), ((), ())),
                          preferred_element_type=jnp.float32) + 1.0
    dis = lax.rsqrt(deg)
    h1 = jnp.dot(x_ref[...], w1_ref[...],
                 preferred_element_type=jnp.float32)
    h1p_ref[...] = h1 * dis[:N]
    dis_ref[...] = dis


def _tc1(x, w1, degp):
    return pl.pallas_call(
        _tc1_body,
        out_shape=(
            jax.ShapeDtypeStruct((N, D), jnp.float32),
            jax.ShapeDtypeStruct((NPAD, 1), jnp.float32),
        ),
    )(x, w1, degp)


def _tc2_body(acc_ref, h1p_ref, dis_ref, w2_ref, b1_ref, g_ref, be_ref,
              h2p_ref):
    dis = dis_ref[...][:N]
    acc = acc_ref[0] + acc_ref[1]
    out1 = (acc[:N] + h1p_ref[...]) * dis + b1_ref[...]
    mean = jnp.mean(out1, axis=0, keepdims=True)
    var = jnp.mean((out1 - mean) * (out1 - mean), axis=0, keepdims=True)
    hbn = (out1 - mean) * lax.rsqrt(var + 1e-5) * g_ref[...] + be_ref[...]
    hr = jnp.maximum(hbn, 0.0)
    h2 = jnp.dot(hr, w2_ref[...], preferred_element_type=jnp.float32)
    h2p_ref[...] = h2 * dis


def _tc2(acc, h1p, dis, w2, b1, g, be):
    return pl.pallas_call(
        _tc2_body,
        out_shape=jax.ShapeDtypeStruct((N, D), jnp.float32),
    )(acc, h1p, dis, w2, b1, g, be)


def _tc3_body(acc_ref, h2p_ref, dis_ref, b2_ref, out_ref):
    dis = dis_ref[...][:N]
    acc = acc_ref[0] + acc_ref[1]
    out_ref[...] = (acc[:N] + h2p_ref[...]) * dis + b2_ref[...]


def _tc3(acc, h2p, dis, b2):
    return pl.pallas_call(
        _tc3_body,
        out_shape=jax.ShapeDtypeStruct((N, D), jnp.float32),
    )(acc, h2p, dis, b2)


@jax.jit
def kernel(x, edge_index, W1, b1, gamma1, beta1, W2, b2):
    src = edge_index[0].reshape(NW, EPW)
    dst_w = edge_index[1].reshape(NW, EPW)
    dst = dst_w[:, :NCH * CH].reshape(NW, NCH, CH)
    dstt = dst_w[:, NCH * CH:]
    zeros_n = jnp.zeros((NPAD,), dtype=jnp.float32)
    zeros_rows = jnp.zeros((RPT, D), dtype=jnp.float32)

    degp = _deg_kernel(edge_index[1], zeros_n)
    h1p, dis = _tc1(x, W1, degp)
    acc1 = _agg_kernel(h1p, src, dst, dstt, zeros_rows)
    h2p = _tc2(acc1, h1p, dis, W2, b1.reshape(1, D), gamma1.reshape(1, D),
               beta1.reshape(1, D))
    acc2 = _agg_kernel(h2p, src, dst, dstt, zeros_rows)
    return _tc3(acc2, h2p, dis, b2.reshape(1, D))

# --- scband reference (transcript-rebuilt; emitter-appended) ---
"""Pipeline reference for scband-gcnencoder-893353197858 (READ-ONLY COPY).

The authoritative reference and input builder live on the scoring server;
editing this copy changes nothing except your own understanding.
"""

import jax, jax.numpy as jnp
import numpy as np

N = 10000
E = 320000
D = 128


def setup_inputs(seed: int = 0) -> dict:
    key = jax.random.key(seed)
    ks = jax.random.split(key, 8)
    x = jax.random.normal(ks[0], (N, D), dtype=jnp.float32)
    edge_index = jax.random.randint(ks[1], (2, E), 0, N, dtype=jnp.int32)
    s = 1.0 / np.sqrt(D)
    W1 = jax.random.uniform(ks[2], (D, D), dtype=jnp.float32, minval=-s, maxval=s)
    b1 = jnp.zeros((D,), dtype=jnp.float32)
    gamma1 = jnp.ones((D,), dtype=jnp.float32)
    beta1 = jnp.zeros((D,), dtype=jnp.float32)
    W2 = jax.random.uniform(ks[3], (D, D), dtype=jnp.float32, minval=-s, maxval=s)
    b2 = jnp.zeros((D,), dtype=jnp.float32)
    return {"x": x, "edge_index": edge_index, "W1": W1, "b1": b1, "gamma1": gamma1, "beta1": beta1, "W2": W2, "b2": b2}


def _gcn_conv(x, src, dst, W, b):
    # PyG-style GCNConv: add self-loops, symmetric normalization, sum-aggregate
    n = x.shape[0]
    deg = jnp.zeros((n,), dtype=x.dtype).at[dst].add(1.0)
    deg_inv_sqrt = jnp.where(deg > 0, deg ** -0.5, 0.0)
    norm = deg_inv_sqrt[src] * deg_inv_sqrt[dst]
    h = x @ W
    msg = h[src] * norm[:, None]
    out = jnp.zeros((n, W.shape[1]), dtype=x.dtype).at[dst].add(msg)
    return out + b


def _batch_norm(h, gamma, beta, eps=1e-5):
    mean = jnp.mean(h, axis=0)
    var = jnp.var(h, axis=0)
    return (h - mean) / jnp.sqrt(var + eps) * gamma + beta


def reference(x, edge_index, W1, b1, gamma1, beta1, W2, b2):
    n = x.shape[0]
    loops = jnp.arange(n, dtype=edge_index.dtype)
    src = jnp.concatenate([edge_index[0], loops])
    dst = jnp.concatenate([edge_index[1], loops])
    h = _gcn_conv(x, src, dst, W1, b1)
    h = _batch_norm(h, gamma1, beta1)
    h = jax.nn.relu(h)
    # dropout is identity in eval mode
    out = _gcn_conv(h, src, dst, W2, b2)
    return out

if __name__ == "__main__":
    import jax
    _d = setup_inputs()
    print(jax.jit(kernel)(*tuple(_d.values())))

</pallas_src>

<mosaic_0001>
#map = affine_map<(d0, d1) -> (0)>
#map1 = affine_map<(d0, d1) -> (0, 0)>
module attributes {stable_mosaic.version = 14 : i64} {
  func.func @_deg_kernel(%arg0: i32, %arg1: i32, %arg2: memref<320000xi32, #tpu.memory_space<hbm>>, %arg3: memref<10112xf32, #tpu.memory_space<hbm>>, %arg4: memref<32x10112xf32, #tpu.memory_space<hbm>>, %arg5: memref<10000xi32, #tpu.memory_space<vmem>>, %arg6: memref<10112xf32, #tpu.memory_space<vmem>>, %arg7: memref<!tpu.dma_semaphore, #tpu.memory_space<semaphore_mem>>, %arg8: memref<!tpu.dma_semaphore, #tpu.memory_space<semaphore_mem>>) attributes {dimension_semantics = [#tpu.dimension_semantics<core_parallel>, #tpu.dimension_semantics<subcore_parallel>], iteration_bounds = array<i64: 2, 16>, scalar_prefetch = 0 : i64, scratch_operands = 4 : i64, tpu.core_type = #tpu.core_type<sc_vector_subcore>, window_params = [{transform_indices = #map}, {transform_indices = #map}, {transform_indices = #map1}]} {
    %mul3A = arith.constant 2 : i32
    %mul3A_0 = arith.muli %arg1, %mul3A : i32
    %add3A = arith.addi %mul3A_0, %arg0 : i32
    %mul3A_1 = arith.constant 10000 : i32
    %mul3A_2 = arith.muli %add3A, %mul3A_1 : i32
    %dma_start3A = tpu.memref_slice %arg2[%mul3A_2] : memref<320000xi32, #tpu.memory_space<hbm>> -> memref<10000xi32, #tpu.memory_space<hbm>>
    %dma_start3A_3 = tpu.memref_slice %arg2[%mul3A_2] : memref<320000xi32, #tpu.memory_space<hbm>> -> memref<10000xi32, #tpu.memory_space<hbm>>
    tpu.enqueue_dma source(%dma_start3A_3 : memref<10000xi32, #tpu.memory_space<hbm>>) target(%arg5 : memref<10000xi32, #tpu.memory_space<vmem>>) target_semaphore(%arg7 : memref<!tpu.dma_semaphore, #tpu.memory_space<semaphore_mem>>)
    tpu.enqueue_dma source(%arg3 : memref<10112xf32, #tpu.memory_space<hbm>>) target(%arg6 : memref<10112xf32, #tpu.memory_space<vmem>>) target_semaphore(%arg8 : memref<!tpu.dma_semaphore, #tpu.memory_space<semaphore_mem>>)
    %dma_wait3A = tpu.memref_slice %arg2[%mul3A_2] : memref<320000xi32, #tpu.memory_space<hbm>> -> memref<10000xi32, #tpu.memory_space<hbm>>
    %dma_wait3A_4 = tpu.memref_slice %arg2[%mul3A_2] : memref<320000xi32, #tpu.memory_space<hbm>> -> memref<10000xi32, #tpu.memory_space<hbm>>
    tpu.wait_dma2 semaphore(%arg7 : memref<!tpu.dma_semaphore, #tpu.memory_space<semaphore_mem>>) src(%dma_wait3A_4 : memref<10000xi32, #tpu.memory_space<hbm>>) dst(%arg5 : memref<10000xi32, #tpu.memory_space<vmem>>)
    tpu.wait_dma2 semaphore(%arg8 : memref<!tpu.dma_semaphore, #tpu.memory_space<semaphore_mem>>) src(%arg3 : memref<10112xf32, #tpu.memory_space<hbm>>) dst(%arg6 : memref<10112xf32, #tpu.memory_space<vmem>>)
    %broadcast_in_dim3A = arith.constant 1.000000e+00 : f32
    %broadcast_in_dim3A_5 = vector.broadcast %broadcast_in_dim3A : f32 to vector<16xf32>
    %scan3A = arith.constant 0 : i32
    %scan3A_6 = arith.constant 0 : i32
    %scan3A_7 = arith.constant 125 : i32
    %scan3A_8 = arith.addi %scan3A_6, %scan3A_7 : i32
    %scan3A_9 = arith.constant 1 : i32
    scf.for %scan3A_11 = %scan3A_6 to %scan3A_8 step %scan3A_9  : i32 {
      %mul3A_12 = arith.constant 80 : i32
      %mul3A_13 = arith.muli %scan3A_11, %mul3A_12 : i32
      %add3A_14 = arith.constant 0 : i32
      %add3A_15 = arith.addi %mul3A_13, %add3A_14 : i32
      %get3A = arith.index_cast %add3A_15 : i32 to index
      %get3A_16 = tpu.vector_load %arg5[%get3A] {strides = array<i32>} : memref<10000xi32, #tpu.memory_space<vmem>>, vector<16xi32>,
      tpu.vector_store_idx %arg6[%get3A_16], %broadcast_in_dim3A_5 {add = true} : memref<10112xf32, #tpu.memory_space<vmem>>[vector<16xi32>], vector<16xf32>,
      %add3A_17 = arith.constant 16 : i32
      %add3A_18 = arith.addi %mul3A_13, %add3A_17 : i32
      %get3A_19 = arith.index_cast %add3A_18 : i32 to index
      %get3A_20 = tpu.vector_load %arg5[%get3A_19] {strides = array<i32>} : memref<10000xi32, #tpu.memory_space<vmem>>, vector<16xi32>,
      tpu.vector_store_idx %arg6[%get3A_20], %broadcast_in_dim3A_5 {add = true} : memref<10112xf32, #tpu.memory_space<vmem>>[vector<16xi32>], vector<16xf32>,
      %add3A_21 = arith.constant 32 : i32
      %add3A_22 = arith.addi %mul3A_13, %add3A_21 : i32
      %get3A_23 = arith.index_cast %add3A_22 : i32 to index
      %get3A_24 = tpu.vector_load %arg5[%get3A_23] {strides = array<i32>} : memref<10000xi32, #tpu.memory_space<vmem>>, vector<16xi32>,
      tpu.vector_store_idx %arg6[%get3A_24], %broadcast_in_dim3A_5 {add = true} : memref<10112xf32, #tpu.memory_space<vmem>>[vector<16xi32>], vector<16xf32>,
      %add3A_25 = arith.constant 48 : i32
      %add3A_26 = arith.addi %mul3A_13, %add3A_25 : i32
      %get3A_27 = arith.index_cast %add3A_26 : i32 to index
      %get3A_28 = tpu.vector_load %arg5[%get3A_27] {strides = array<i32>} : memref<10000xi32, #tpu.memory_space<vmem>>, vector<16xi32>,
      tpu.vector_store_idx %arg6[%get3A_28], %broadcast_in_dim3A_5 {add = true} : memref<10112xf32, #tpu.memory_space<vmem>>[vector<16xi32>], vector<16xf32>,
      %add3A_29 = arith.constant 64 : i32
      %add3A_30 = arith.addi %mul3A_13, %add3A_29 : i32
      %get3A_31 = arith.index_cast %add3A_30 : i32 to index
      %get3A_32 = tpu.vector_load %arg5[%get3A_31] {strides = array<i32>} : memref<10000xi32, #tpu.memory_space<vmem>>, vector<16xi32>,
      tpu.vector_store_idx %arg6[%get3A_32], %broadcast_in_dim3A_5 {add = true} : memref<10112xf32, #tpu.memory_space<vmem>>[vector<16xi32>], vector<16xf32>,
    }
    %scan3A_10 = arith.constant 125 : i32
    "tpu.region"() ({
      %run_scoped3A = tpu.sem_alloc : memref<!tpu.dma_semaphore, #tpu.memory_space<semaphore_mem>>
      %dma_start3A_11 = arith.constant 0 : i32
      %dma_start3A_12 = tpu.memref_slice %arg4[%add3A, %dma_start3A_11] : memref<32x10112xf32, #tpu.memory_space<hbm>> -> memref<1x10112xf32, #tpu.memory_space<hbm>>
      %dma_start3A_13 = tpu.memref_squeeze %dma_start3A_12 : memref<1x10112xf32, #tpu.memory_space<hbm>> -> memref<10112xf32, #tpu.memory_space<hbm>>
      %dma_start3A_14 = arith.constant 0 : i32
      %dma_start3A_15 = tpu.memref_slice %arg4[%add3A, %dma_start3A_14] : memref<32x10112xf32, #tpu.memory_space<hbm>> -> memref<1x10112xf32, #tpu.memory_space<hbm>>
      %dma_start3A_16 = tpu.memref_squeeze %dma_start3A_15 : memref<1x10112xf32, #tpu.memory_space<hbm>> -> memref<10112xf32, #tpu.memory_space<hbm>>
      tpu.enqueue_dma source(%arg6 : memref<10112xf32, #tpu.memory_space<vmem>>) target(%dma_start3A_16 : memref<10112xf32, #tpu.memory_space<hbm>>) target_semaphore(%run_scoped3A : memref<!tpu.dma_semaphore, #tpu.memory_space<semaphore_mem>>)
      %dma_wait3A_17 = arith.constant 0 : i32
      %dma_wait3A_18 = tpu.memref_slice %arg4[%add3A, %dma_wait3A_17] : memref<32x10112xf32, #tpu.memory_space<hbm>> -> memref<1x10112xf32, #tpu.memory_space<hbm>>
      %dma_wait3A_19 = tpu.memref_squeeze %dma_wait3A_18 : memref<1x10112xf32, #tpu.memory_space<hbm>> -> memref<10112xf32, #tpu.memory_space<hbm>>
      %dma_wait3A_20 = arith.constant 0 : i32
      %dma_wait3A_21 = tpu.memref_slice %arg4[%add3A, %dma_wait3A_20] : memref<32x10112xf32, #tpu.memory_space<hbm>> -> memref<1x10112xf32, #tpu.memory_space<hbm>>
      %dma_wait3A_22 = tpu.memref_squeeze %dma_wait3A_21 : memref<1x10112xf32, #tpu.memory_space<hbm>> -> memref<10112xf32, #tpu.memory_space<hbm>>
      tpu.wait_dma2 semaphore(%run_scoped3A : memref<!tpu.dma_semaphore, #tpu.memory_space<semaphore_mem>>) src(%arg6 : memref<10112xf32, #tpu.memory_space<vmem>>) dst(%dma_wait3A_22 : memref<10112xf32, #tpu.memory_space<hbm>>)
      tpu.yield
    }) : () -> ()
    return
  }
}

#map = affine_map<(d0, d1) -> (0, 0)>
#map1 = affine_map<(d0, d1) -> (0, 0, 0)>
module attributes {stable_mosaic.version = 14 : i64} {
  func.func @_agg_kernel(%arg0: i32, %arg1: i32, %arg2: memref<10000x128xf32, #tpu.memory_space<hbm>>, %arg3: memref<32x10000xi32, #tpu.memory_space<hbm>>, %arg4: memref<32x96x104xi32, #tpu.memory_space<hbm>>, %arg5: memref<32x16xi32, #tpu.memory_space<hbm>>, %arg6: memref<632x128xf32, #tpu.memory_space<hbm>>, %arg7: memref<2x10112x128xf32, #tpu.memory_space<hbm>>, %arg8: memref<10000xi32, #tpu.memory_space<vmem>>, %arg9: memref<96x104xi32, #tpu.memory_space<vmem>>, %arg10: memref<16xi32, #tpu.memory_space<vmem>>, %arg11: memref<104x128xf32, #tpu.memory_space<vmem>>, %arg12: memref<104x128xf32, #tpu.memory_space<vmem>>, %arg13: memref<!tpu.dma_semaphore, #tpu.memory_space<semaphore_mem>>, %arg14: memref<!tpu.dma_semaphore, #tpu.memory_space<semaphore_mem>>, %arg15: memref<10112x128xf32, #tpu.memory_space<vmem_shared>>) attributes {dimension_semantics = [#tpu.dimension_semantics<core_parallel>, #tpu.dimension_semantics<subcore_parallel>], iteration_bounds = array<i64: 2, 16>, scalar_prefetch = 0 : i64, scratch_operands = 8 : i64, tpu.core_type = #tpu.core_type<sc_vector_subcore>, window_params = [{transform_indices = #map}, {transform_indices = #map}, {transform_indices = #map1}, {transform_indices = #map}, {transform_indices = #map}, {transform_indices = #map1}]} {
    %mul3A = arith.constant 2 : i32
    %mul3A_0 = arith.muli %arg1, %mul3A : i32
    %add3A = arith.addi %mul3A_0, %arg0 : i32
    %mul3A_1 = arith.constant 632 : i32
    %mul3A_2 = arith.muli %arg1, %mul3A_1 : i32
    %dma_start3A = arith.constant 0 : i32
    %dma_start3A_3 = tpu.memref_slice %arg15[%mul3A_2, %dma_start3A] : memref<10112x128xf32, #tpu.memory_space<vmem_shared>> -> memref<632x128xf32, #tpu.memory_space<vmem_shared>>
    tpu.enqueue_dma source(%arg6 : memref<632x128xf32, #tpu.memory_space<hbm>>) target(%dma_start3A_3 : memref<632x128xf32, #tpu.memory_space<vmem_shared>>) target_semaphore(%arg13 : memref<!tpu.dma_semaphore, #tpu.memory_space<semaphore_mem>>)
    %dma_start3A_4 = arith.constant 0 : i32
    %dma_start3A_5 = tpu.memref_slice %arg3[%add3A, %dma_start3A_4] : memref<32x10000xi32, #tpu.memory_space<hbm>> -> memref<1x10000xi32, #tpu.memory_space<hbm>>
    %dma_start3A_6 = tpu.memref_squeeze %dma_start3A_5 : memref<1x10000xi32, #tpu.memory_space<hbm>> -> memref<10000xi32, #tpu.memory_space<hbm>>
    %dma_start3A_7 = arith.constant 0 : i32
    %dma_start3A_8 = tpu.memref_slice %arg3[%add3A, %dma_start3A_7] : memref<32x10000xi32, #tpu.memory_space<hbm>> -> memref<1x10000xi32, #tpu.memory_space<hbm>>
    %dma_start3A_9 = tpu.memref_squeeze %dma_start3A_8 : memref<1x10000xi32, #tpu.memory_space<hbm>> -> memref<10000xi32, #tpu.memory_space<hbm>>
    tpu.enqueue_dma source(%dma_start3A_9 : memref<10000xi32, #tpu.memory_space<hbm>>) target(%arg8 : memref<10000xi32, #tpu.memory_space<vmem>>) target_semaphore(%arg14 : memref<!tpu.dma_semaphore, #tpu.memory_space<semaphore_mem>>)
    %dma_start3A_10 = arith.constant 0 : i32
    %dma_start3A_11 = arith.constant 0 : i32
    %dma_start3A_12 = tpu.memref_slice %arg4[%add3A, %dma_start3A_10, %dma_start3A_11] : memref<32x96x104xi32, #tpu.memory_space<hbm>> -> memref<1x96x104xi32, #tpu.memory_space<hbm>>
    %dma_start3A_13 = tpu.memref_squeeze %dma_start3A_12 : memref<1x96x104xi32, #tpu.memory_space<hbm>> -> memref<96x104xi32, #tpu.memory_space<hbm>>
    %dma_start3A_14 = arith.constant 0 : i32
    %dma_start3A_15 = arith.constant 0 : i32
    %dma_start3A_16 = tpu.memref_slice %arg4[%add3A, %dma_start3A_14, %dma_start3A_15] : memref<32x96x104xi32, #tpu.memory_space<hbm>> -> memref<1x96x104xi32, #tpu.memory_space<hbm>>
    %dma_start3A_17 = tpu.memref_squeeze %dma_start3A_16 : memref<1x96x104xi32, #tpu.memory_space<hbm>> -> memref<96x104xi32, #tpu.memory_space<hbm>>
    tpu.enqueue_dma source(%dma_start3A_17 : memref<96x104xi32, #tpu.memory_space<hbm>>) target(%arg9 : memref<96x104xi32, #tpu.memory_space<vmem>>) target_semaphore(%arg13 : memref<!tpu.dma_semaphore, #tpu.memory_space<semaphore_mem>>)
    %dma_start3A_18 = arith.constant 0 : i32
    %dma_start3A_19 = tpu.memref_slice %arg5[%add3A, %dma_start3A_18] : memref<32x16xi32, #tpu.memory_space<hbm>> -> memref<1x16xi32, #tpu.memory_space<hbm>>
    %dma_start3A_20 = tpu.memref_squeeze %dma_start3A_19 : memref<1x16xi32, #tpu.memory_space<hbm>> -> memref<16xi32, #tpu.memory_space<hbm>>
    %dma_start3A_21 = arith.constant 0 : i32
    %dma_start3A_22 = tpu.memref_slice %arg5[%add3A, %dma_start3A_21] : memref<32x16xi32, #tpu.memory_space<hbm>> -> memref<1x16xi32, #tpu.memory_space<hbm>>
    %dma_start3A_23 = tpu.memref_squeeze %dma_start3A_22 : memref<1x16xi32, #tpu.memory_space<hbm>> -> memref<16xi32, #tpu.memory_space<hbm>>
    tpu.enqueue_dma source(%dma_start3A_23 : memref<16xi32, #tpu.memory_space<hbm>>) target(%arg10 : memref<16xi32, #tpu.memory_space<vmem>>) target_semaphore(%arg14 : memref<!tpu.dma_semaphore, #tpu.memory_space<semaphore_mem>>)
    %dma_wait3A = arith.constant 0 : i32
    %dma_wait3A_24 = tpu.memref_slice %arg15[%mul3A_2, %dma_wait3A] : memref<10112x128xf32, #tpu.memory_space<vmem_shared>> -> memref<632x128xf32, #tpu.memory_space<vmem_shared>>
    tpu.wait_dma2 semaphore(%arg13 : memref<!tpu.dma_semaphore, #tpu.memory_space<semaphore_mem>>) src(%arg6 : memref<632x128xf32, #tpu.memory_space<hbm>>) dst(%dma_wait3A_24 : memref<632x128xf32, #tpu.memory_space<vmem_shared>>)
    %dma_wait3A_25 = arith.constant 0 : i32
    %dma_wait3A_26 = tpu.memref_slice %arg3[%add3A, %dma_wait3A_25] : memref<32x10000xi32, #tpu.memory_space<hbm>> -> memref<1x10000xi32, #tpu.memory_space<hbm>>
    %dma_wait3A_27 = tpu.memref_squeeze %dma_wait3A_26 : memref<1x10000xi32, #tpu.memory_space<hbm>> -> memref<10000xi32, #tpu.memory_space<hbm>>
    %dma_wait3A_28 = arith.constant 0 : i32
    %dma_wait3A_29 = tpu.memref_slice %arg3[%add3A, %dma_wait3A_28] : memref<32x10000xi32, #tpu.memory_space<hbm>> -> memref<1x10000xi32, #tpu.memory_space<hbm>>
    %dma_wait3A_30 = tpu.memref_squeeze %dma_wait3A_29 : memref<1x10000xi32, #tpu.memory_space<hbm>> -> memref<10000xi32, #tpu.memory_space<hbm>>
    tpu.wait_dma2 semaphore(%arg14 : memref<!tpu.dma_semaphore, #tpu.memory_space<semaphore_mem>>) src(%dma_wait3A_30 : memref<10000xi32, #tpu.memory_space<hbm>>) dst(%arg8 : memref<10000xi32, #tpu.memory_space<vmem>>)
    %dma_wait3A_31 = arith.constant 0 : i32
    %dma_wait3A_32 = arith.constant 0 : i32
    %dma_wait3A_33 = tpu.memref_slice %arg4[%add3A, %dma_wait3A_31, %dma_wait3A_32] : memref<32x96x104xi32, #tpu.memory_space<hbm>> -> memref<1x96x104xi32, #tpu.memory_space<hbm>>
    %dma_wait3A_34 = tpu.memref_squeeze %dma_wait3A_33 : memref<1x96x104xi32, #tpu.memory_space<hbm>> -> memref<96x104xi32, #tpu.memory_space<hbm>>
    %dma_wait3A_35 = arith.constant 0 : i32
    %dma_wait3A_36 = arith.constant 0 : i32
    %dma_wait3A_37 = tpu.memref_slice %arg4[%add3A, %dma_wait3A_35, %dma_wait3A_36] : memref<32x96x104xi32, #tpu.memory_space<hbm>> -> memref<1x96x104xi32, #tpu.memory_space<hbm>>
    %dma_wait3A_38 = tpu.memref_squeeze %dma_wait3A_37 : memref<1x96x104xi32, #tpu.memory_space<hbm>> -> memref<96x104xi32, #tpu.memory_space<hbm>>
    tpu.wait_dma2 semaphore(%arg13 : memref<!tpu.dma_semaphore, #tpu.memory_space<semaphore_mem>>) src(%dma_wait3A_38 : memref<96x104xi32, #tpu.memory_space<hbm>>) dst(%arg9 : memref<96x104xi32, #tpu.memory_space<vmem>>)
    %dma_wait3A_39 = arith.constant 0 : i32
    %dma_wait3A_40 = tpu.memref_slice %arg5[%add3A, %dma_wait3A_39] : memref<32x16xi32, #tpu.memory_space<hbm>> -> memref<1x16xi32, #tpu.memory_space<hbm>>
    %dma_wait3A_41 = tpu.memref_squeeze %dma_wait3A_40 : memref<1x16xi32, #tpu.memory_space<hbm>> -> memref<16xi32, #tpu.memory_space<hbm>>
    %dma_wait3A_42 = arith.constant 0 : i32
    %dma_wait3A_43 = tpu.memref_slice %arg5[%add3A, %dma_wait3A_42] : memref<32x16xi32, #tpu.memory_space<hbm>> -> memref<1x16xi32, #tpu.memory_space<hbm>>
    %dma_wait3A_44 = tpu.memref_squeeze %dma_wait3A_43 : memref<1x16xi32, #tpu.memory_space<hbm>> -> memref<16xi32, #tpu.memory_space<hbm>>
    tpu.wait_dma2 semaphore(%arg14 : memref<!tpu.dma_semaphore, #tpu.memory_space<semaphore_mem>>) src(%dma_wait3A_44 : memref<16xi32, #tpu.memory_space<hbm>>) dst(%arg10 : memref<16xi32, #tpu.memory_space<vmem>>)
    %barrier3A = arith.constant 0 : index
    tpu.barrier barrier_id(%barrier3A)
    %dma_start3A_45 = arith.constant 0 : i32
    %dma_start3A_46 = tpu.memref_slice %arg8[%dma_start3A_45] : memref<10000xi32, #tpu.memory_space<vmem>> -> memref<104xi32, #tpu.memory_space<vmem>>
    %dma_start3A_47 = arith.constant 0 : i32
    %dma_start3A_48 = arith.constant 0 : i32
    %dma_start3A_49 = tpu.memref_slice %arg2[%dma_start3A_47, %dma_start3A_48] : memref<10000x128xf32, #tpu.memory_space<hbm>> -> memref<10000x128xf32, #tpu.memory_space<hbm>>
    tpu.enqueue_indirect_dma source(%dma_start3A_49 : memref<10000x128xf32, #tpu.memory_space<hbm>>) target(%arg11 : memref<104x128xf32, #tpu.memory_space<vmem>>) offsets(%dma_start3A_46 : memref<104xi32, #tpu.memory_space<vmem>>) semaphore(%arg13 : memref<!tpu.dma_semaphore, #tpu.memory_space<semaphore_mem>>)
    %scan3A = arith.constant 0 : i32
    %scan3A_50 = arith.constant 0 : i32
    %scan3A_51 = arith.constant 47 : i32
    %scan3A_52 = arith.addi %scan3A_50, %scan3A_51 : i32
    %scan3A_53 = arith.constant 1 : i32
    scf.for %scan3A_92 = %scan3A_50 to %scan3A_52 step %scan3A_53  : i32 {
      %mul3A_93 = arith.constant 2 : i32
      %mul3A_94 = arith.muli %mul3A_93, %scan3A_92 : i32
      %add3A_95 = arith.constant 1 : i32
      %add3A_96 = arith.addi %mul3A_94, %add3A_95 : i32
      %mul3A_97 = arith.constant 104 : i32
      %mul3A_98 = arith.muli %add3A_96, %mul3A_97 : i32
      %dma_start3A_99 = tpu.memref_slice %arg8[%mul3A_98] : memref<10000xi32, #tpu.memory_space<vmem>> -> memref<104xi32, #tpu.memory_space<vmem>>
      %dma_start3A_100 = arith.constant 0 : i32
      %dma_start3A_101 = arith.constant 0 : i32
      %dma_start3A_102 = tpu.memref_slice %arg2[%dma_start3A_100, %dma_start3A_101] : memref<10000x128xf32, #tpu.memory_space<hbm>> -> memref<10000x128xf32, #tpu.memory_space<hbm>>
      tpu.enqueue_indirect_dma source(%dma_start3A_102 : memref<10000x128xf32, #tpu.memory_space<hbm>>) target(%arg12 : memref<104x128xf32, #tpu.memory_space<vmem>>) offsets(%dma_start3A_99 : memref<104xi32, #tpu.memory_space<vmem>>) semaphore(%arg14 : memref<!tpu.dma_semaphore, #tpu.memory_space<semaphore_mem>>)
      %mul3A_103 = arith.constant 104 : i32
      %mul3A_104 = arith.muli %mul3A_94, %mul3A_103 : i32
      %dma_wait3A_105 = tpu.memref_slice %arg8[%mul3A_104] : memref<10000xi32, #tpu.memory_space<vmem>> -> memref<104xi32, #tpu.memory_space<vmem>>
      %dma_wait3A_106 = arith.constant 0 : i32
      %dma_wait3A_107 = arith.constant 0 : i32
      %dma_wait3A_108 = tpu.memref_slice %arg2[%dma_wait3A_106, %dma_wait3A_107] : memref<10000x128xf32, #tpu.memory_space<hbm>> -> memref<10000x128xf32, #tpu.memory_space<hbm>>
      tpu.wait_indirect_dma semaphore(%arg13 : memref<!tpu.dma_semaphore, #tpu.memory_space<semaphore_mem>>) src(%dma_wait3A_108 : memref<10000x128xf32, #tpu.memory_space<hbm>>) dst(%arg11 : memref<104x128xf32, #tpu.memory_space<vmem>>)
      "tpu.region"() ({
        %run_scoped3A_127 = tpu.sem_alloc : memref<!tpu.dma_semaphore, #tpu.memory_space<semaphore_mem>>
        %dma_start3A_128 = arith.constant 0 : i32
        %dma_start3A_129 = tpu.memref_slice %arg9[%mul3A_94, %dma_start3A_128] : memref<96x104xi32, #tpu.memory_space<vmem>> -> memref<1x104xi32, #tpu.memory_space<vmem>>
        %dma_start3A_130 = tpu.memref_squeeze %dma_start3A_129 : memref<1x104xi32, #tpu.memory_space<vmem>> -> memref<104xi32, #tpu.memory_space<vmem>>
        %dma_start3A_131 = arith.constant 0 : i32
        %dma_start3A_132 = arith.constant 0 : i32
        %dma_start3A_133 = tpu.memref_slice %arg15[%dma_start3A_131, %dma_start3A_132] : memref<10112x128xf32, #tpu.memory_space<vmem_shared>> -> memref<10112x128xf32, #tpu.memory_space<vmem_shared>>
        tpu.enqueue_indirect_dma source(%arg11 : memref<104x128xf32, #tpu.memory_space<vmem>>) target(%dma_start3A_133 : memref<10112x128xf32, #tpu.memory_space<vmem_shared>>) offsets(%dma_start3A_130 : memref<104xi32, #tpu.memory_space<vmem>>) semaphore(%run_scoped3A_127 : memref<!tpu.dma_semaphore, #tpu.memory_space<semaphore_mem>>) {add = true}
        %dma_wait3A_134 = arith.constant 0 : i32
        %dma_wait3A_135 = tpu.memref_slice %arg9[%mul3A_94, %dma_wait3A_134] : memref<96x104xi32, #tpu.memory_space<vmem>> -> memref<1x104xi32, #tpu.memory_space<vmem>>
        %dma_wait3A_136 = tpu.memref_squeeze %dma_wait3A_135 : memref<1x104xi32, #tpu.memory_space<vmem>> -> memref<104xi32, #tpu.memory_space<vmem>>
        %dma_wait3A_137 = arith.constant 0 : i32
        %dma_wait3A_138 = arith.constant 0 : i32
        %dma_wait3A_139 = tpu.memref_slice %arg15[%dma_wait3A_137, %dma_wait3A_138] : memref<10112x128xf32, #tpu.memory_space<vmem_shared>> -> memref<10112x128xf32, #tpu.memory_space<vmem_shared>>
        tpu.wait_indirect_dma semaphore(%run_scoped3A_127 : memref<!tpu.dma_semaphore, #tpu.memory_space<semaphore_mem>>) src(%arg11 : memref<104x128xf32, #tpu.memory_space<vmem>>) dst(%dma_wait3A_139 : memref<10112x128xf32, #tpu.memory_space<vmem_shared>>)
        tpu.yield
      }) : () -> ()
      %add3A_109 = arith.constant 2 : i32
      %add3A_110 = arith.addi %mul3A_94, %add3A_109 : i32
      %mul3A_111 = arith.constant 104 : i32
      %mul3A_112 = arith.muli %add3A_110, %mul3A_111 : i32
      %dma_start3A_113 = tpu.memref_slice %arg8[%mul3A_112] : memref<10000xi32, #tpu.memory_space<vmem>> -> memref<104xi32, #tpu.memory_space<vmem>>
      %dma_start3A_114 = arith.constant 0 : i32
      %dma_start3A_115 = arith.constant 0 : i32
      %dma_start3A_116 = tpu.memref_slice %arg2[%dma_start3A_114, %dma_start3A_115] : memref<10000x128xf32, #tpu.memory_space<hbm>> -> memref<10000x128xf32, #tpu.memory_space<hbm>>
      tpu.enqueue_indirect_dma source(%dma_start3A_116 : memref<10000x128xf32, #tpu.memory_space<hbm>>) target(%arg11 : memref<104x128xf32, #tpu.memory_space<vmem>>) offsets(%dma_start3A_113 : memref<104xi32, #tpu.memory_space<vmem>>) semaphore(%arg13 : memref<!tpu.dma_semaphore, #tpu.memory_space<semaphore_mem>>)
      %add3A_117 = arith.constant 1 : i32
      %add3A_118 = arith.addi %mul3A_94, %add3A_117 : i32
      %mul3A_119 = arith.constant 104 : i32
      %mul3A_120 = arith.muli %add3A_118, %mul3A_119 : i32
      %dma_wait3A_121 = tpu.memref_slice %arg8[%mul3A_120] : memref<10000xi32, #tpu.memory_space<vmem>> -> memref<104xi32, #tpu.memory_space<vmem>>
      %dma_wait3A_122 = arith.constant 0 : i32
      %dma_wait3A_123 = arith.constant 0 : i32
      %dma_wait3A_124 = tpu.memref_slice %arg2[%dma_wait3A_122, %dma_wait3A_123] : memref<10000x128xf32, #tpu.memory_space<hbm>> -> memref<10000x128xf32, #tpu.memory_space<hbm>>
      tpu.wait_indirect_dma semaphore(%arg14 : memref<!tpu.dma_semaphore, #tpu.memory_space<semaphore_mem>>) src(%dma_wait3A_124 : memref<10000x128xf32, #tpu.memory_space<hbm>>) dst(%arg12 : memref<104x128xf32, #tpu.memory_space<vmem>>)
      %add3A_125 = arith.constant 1 : i32
      %add3A_126 = arith.addi %mul3A_94, %add3A_125 : i32
      "tpu.region"() ({
        %run_scoped3A_127 = tpu.sem_alloc : memref<!tpu.dma_semaphore, #tpu.memory_space<semaphore_mem>>
        %dma_start3A_128 = arith.constant 0 : i32
        %dma_start3A_129 = tpu.memref_slice %arg9[%add3A_126, %dma_start3A_128] : memref<96x104xi32, #tpu.memory_space<vmem>> -> memref<1x104xi32, #tpu.memory_space<vmem>>
        %dma_start3A_130 = tpu.memref_squeeze %dma_start3A_129 : memref<1x104xi32, #tpu.memory_space<vmem>> -> memref<104xi32, #tpu.memory_space<vmem>>
        %dma_start3A_131 = arith.constant 0 : i32
        %dma_start3A_132 = arith.constant 0 : i32
        %dma_start3A_133 = tpu.memref_slice %arg15[%dma_start3A_131, %dma_start3A_132] : memref<10112x128xf32, #tpu.memory_space<vmem_shared>> -> memref<10112x128xf32, #tpu.memory_space<vmem_shared>>
        tpu.enqueue_indirect_dma source(%arg12 : memref<104x128xf32, #tpu.memory_space<vmem>>) target(%dma_start3A_133 : memref<10112x128xf32, #tpu.memory_space<vmem_shared>>) offsets(%dma_start3A_130 : memref<104xi32, #tpu.memory_space<vmem>>) semaphore(%run_scoped3A_127 : memref<!tpu.dma_semaphore, #tpu.memory_space<semaphore_mem>>) {add = true}
        %dma_wait3A_134 = arith.constant 0 : i32
        %dma_wait3A_135 = tpu.memref_slice %arg9[%add3A_126, %dma_wait3A_134] : memref<96x104xi32, #tpu.memory_space<vmem>> -> memref<1x104xi32, #tpu.memory_space<vmem>>
        %dma_wait3A_136 = tpu.memref_squeeze %dma_wait3A_135 : memref<1x104xi32, #tpu.memory_space<vmem>> -> memref<104xi32, #tpu.memory_space<vmem>>
        %dma_wait3A_137 = arith.constant 0 : i32
        %dma_wait3A_138 = arith.constant 0 : i32
        %dma_wait3A_139 = tpu.memref_slice %arg15[%dma_wait3A_137, %dma_wait3A_138] : memref<10112x128xf32, #tpu.memory_space<vmem_shared>> -> memref<10112x128xf32, #tpu.memory_space<vmem_shared>>
        tpu.wait_indirect_dma semaphore(%run_scoped3A_127 : memref<!tpu.dma_semaphore, #tpu.memory_space<semaphore_mem>>) src(%arg12 : memref<104x128xf32, #tpu.memory_space<vmem>>) dst(%dma_wait3A_139 : memref<10112x128xf32, #tpu.memory_space<vmem_shared>>)
        tpu.yield
      }) : () -> ()
    }
    %scan3A_54 = arith.constant 47 : i32
    %dma_start3A_55 = arith.constant 9880 : i32
    %dma_start3A_56 = tpu.memref_slice %arg8[%dma_start3A_55] : memref<10000xi32, #tpu.memory_space<vmem>> -> memref<104xi32, #tpu.memory_space<vmem>>
    %dma_start3A_57 = arith.constant 0 : i32
    %dma_start3A_58 = arith.constant 0 : i32
    %dma_start3A_59 = tpu.memref_slice %arg2[%dma_start3A_57, %dma_start3A_58] : memref<10000x128xf32, #tpu.memory_space<hbm>> -> memref<10000x128xf32, #tpu.memory_space<hbm>>
    tpu.enqueue_indirect_dma source(%dma_start3A_59 : memref<10000x128xf32, #tpu.memory_space<hbm>>) target(%arg12 : memref<104x128xf32, #tpu.memory_space<vmem>>) offsets(%dma_start3A_56 : memref<104xi32, #tpu.memory_space<vmem>>) semaphore(%arg14 : memref<!tpu.dma_semaphore, #tpu.memory_space<semaphore_mem>>)
    %dma_wait3A_60 = arith.constant 9776 : i32
    %dma_wait3A_61 = tpu.memref_slice %arg8[%dma_wait3A_60] : memref<10000xi32, #tpu.memory_space<vmem>> -> memref<104xi32, #tpu.memory_space<vmem>>
    %dma_wait3A_62 = arith.constant 0 : i32
    %dma_wait3A_63 = arith.constant 0 : i32
    %dma_wait3A_64 = tpu.memref_slice %arg2[%dma_wait3A_62, %dma_wait3A_63] : memref<10000x128xf32, #tpu.memory_space<hbm>> -> memref<10000x128xf32, #tpu.memory_space<hbm>>
    tpu.wait_indirect_dma semaphore(%arg13 : memref<!tpu.dma_semaphore, #tpu.memory_space<semaphore_mem>>) src(%dma_wait3A_64 : memref<10000x128xf32, #tpu.memory_space<hbm>>) dst(%arg11 : memref<104x128xf32, #tpu.memory_space<vmem>>)
    %run_scoped3A = arith.constant 94 : i32
    "tpu.region"() ({
      %run_scoped3A_92 = tpu.sem_alloc : memref<!tpu.dma_semaphore, #tpu.memory_space<semaphore_mem>>
      %dma_start3A_93 = arith.constant 0 : i32
      %dma_start3A_94 = tpu.memref_slice %arg9[%run_scoped3A, %dma_start3A_93] : memref<96x104xi32, #tpu.memory_space<vmem>> -> memref<1x104xi32, #tpu.memory_space<vmem>>
      %dma_start3A_95 = tpu.memref_squeeze %dma_start3A_94 : memref<1x104xi32, #tpu.memory_space<vmem>> -> memref<104xi32, #tpu.memory_space<vmem>>
      %dma_start3A_96 = arith.constant 0 : i32
      %dma_start3A_97 = arith.constant 0 : i32
      %dma_start3A_98 = tpu.memref_slice %arg15[%dma_start3A_96, %dma_start3A_97] : memref<10112x128xf32, #tpu.memory_space<vmem_shared>> -> memref<10112x128xf32, #tpu.memory_space<vmem_shared>>
      tpu.enqueue_indirect_dma source(%arg11 : memref<104x128xf32, #tpu.memory_space<vmem>>) target(%dma_start3A_98 : memref<10112x128xf32, #tpu.memory_space<vmem_shared>>) offsets(%dma_start3A_95 : memref<104xi32, #tpu.memory_space<vmem>>) semaphore(%run_scoped3A_92 : memref<!tpu.dma_semaphore, #tpu.memory_space<semaphore_mem>>) {add = true}
      %dma_wait3A_99 = arith.constant 0 : i32
      %dma_wait3A_100 = tpu.memref_slice %arg9[%run_scoped3A, %dma_wait3A_99] : memref<96x104xi32, #tpu.memory_space<vmem>> -> memref<1x104xi32, #tpu.memory_space<vmem>>
      %dma_wait3A_101 = tpu.memref_squeeze %dma_wait3A_100 : memref<1x104xi32, #tpu.memory_space<vmem>> -> memref<104xi32, #tpu.memory_space<vmem>>
      %dma_wait3A_102 = arith.constant 0 : i32
      %dma_wait3A_103 = arith.constant 0 : i32
      %dma_wait3A_104 = tpu.memref_slice %arg15[%dma_wait3A_102, %dma_wait3A_103] : memref<10112x128xf32, #tpu.memory_space<vmem_shared>> -> memref<10112x128xf32, #tpu.memory_space<vmem_shared>>
      tpu.wait_indirect_dma semaphore(%run_scoped3A_92 : memref<!tpu.dma_semaphore, #tpu.memory_space<semaphore_mem>>) src(%arg11 : memref<104x128xf32, #tpu.memory_space<vmem>>) dst(%dma_wait3A_104 : memref<10112x128xf32, #tpu.memory_space<vmem_shared>>)
      tpu.yield
    }) : () -> ()
    %dma_wait3A_65 = arith.constant 9880 : i32
    %dma_wait3A_66 = tpu.memref_slice %arg8[%dma_wait3A_65] : memref<10000xi32, #tpu.memory_space<vmem>> -> memref<104xi32, #tpu.memory_space<vmem>>
    %dma_wait3A_67 = arith.constant 0 : i32
    %dma_wait3A_68 = arith.constant 0 : i32
    %dma_wait3A_69 = tpu.memref_slice %arg2[%dma_wait3A_67, %dma_wait3A_68] : memref<10000x128xf32, #tpu.memory_space<hbm>> -> memref<10000x128xf32, #tpu.memory_space<hbm>>
    tpu.wait_indirect_dma semaphore(%arg14 : memref<!tpu.dma_semaphore, #tpu.memory_space<semaphore_mem>>) src(%dma_wait3A_69 : memref<10000x128xf32, #tpu.memory_space<hbm>>) dst(%arg12 : memref<104x128xf32, #tpu.memory_space<vmem>>)
    %run_scoped3A_70 = arith.constant 95 : i32
    "tpu.region"() ({
      %run_scoped3A_92 = tpu.sem_alloc : memref<!tpu.dma_semaphore, #tpu.memory_space<semaphore_mem>>
      %dma_start3A_93 = arith.constant 0 : i32
      %dma_start3A_94 = tpu.memref_slice %arg9[%run_scoped3A_70, %dma_start3A_93] : memref<96x104xi32, #tpu.memory_space<vmem>> -> memref<1x104xi32, #tpu.memory_space<vmem>>
      %dma_start3A_95 = tpu.memref_squeeze %dma_start3A_94 : memref<1x104xi32, #tpu.memory_space<vmem>> -> memref<104xi32, #tpu.memory_space<vmem>>
      %dma_start3A_96 = arith.constant 0 : i32
      %dma_start3A_97 = arith.constant 0 : i32
      %dma_start3A_98 = tpu.memref_slice %arg15[%dma_start3A_96, %dma_start3A_97] : memref<10112x128xf32, #tpu.memory_space<vmem_shared>> -> memref<10112x128xf32, #tpu.memory_space<vmem_shared>>
      tpu.enqueue_indirect_dma source(%arg12 : memref<104x128xf32, #tpu.memory_space<vmem>>) target(%dma_start3A_98 : memref<10112x128xf32, #tpu.memory_space<vmem_shared>>) offsets(%dma_start3A_95 : memref<104xi32, #tpu.memory_space<vmem>>) semaphore(%run_scoped3A_92 : memref<!tpu.dma_semaphore, #tpu.memory_space<semaphore_mem>>) {add = true}
      %dma_wait3A_99 = arith.constant 0 : i32
      %dma_wait3A_100 = tpu.memref_slice %arg9[%run_scoped3A_70, %dma_wait3A_99] : memref<96x104xi32, #tpu.memory_space<vmem>> -> memref<1x104xi32, #tpu.memory_space<vmem>>
      %dma_wait3A_101 = tpu.memref_squeeze %dma_wait3A_100 : memref<1x104xi32, #tpu.memory_space<vmem>> -> memref<104xi32, #tpu.memory_space<vmem>>
      %dma_wait3A_102 = arith.constant 0 : i32
      %dma_wait3A_103 = arith.constant 0 : i32
      %dma_wait3A_104 = tpu.memref_slice %arg15[%dma_wait3A_102, %dma_wait3A_103] : memref<10112x128xf32, #tpu.memory_space<vmem_shared>> -> memref<10112x128xf32, #tpu.memory_space<vmem_shared>>
      tpu.wait_indirect_dma semaphore(%run_scoped3A_92 : memref<!tpu.dma_semaphore, #tpu.memory_space<semaphore_mem>>) src(%arg12 : memref<104x128xf32, #tpu.memory_space<vmem>>) dst(%dma_wait3A_104 : memref<10112x128xf32, #tpu.memory_space<vmem_shared>>)
      tpu.yield
    }) : () -> ()
    %dma_start3A_71 = arith.constant 0 : i32
    %dma_start3A_72 = arith.constant 0 : i32
    %dma_start3A_73 = tpu.memref_slice %arg11[%dma_start3A_71, %dma_start3A_72] : memref<104x128xf32, #tpu.memory_space<vmem>> -> memref<16x128xf32, #tpu.memory_space<vmem>>
    %dma_start3A_74 = arith.constant 9984 : i32
    %dma_start3A_75 = tpu.memref_slice %arg8[%dma_start3A_74] : memref<10000xi32, #tpu.memory_space<vmem>> -> memref<16xi32, #tpu.memory_space<vmem>>
    %dma_start3A_76 = arith.constant 0 : i32
    %dma_start3A_77 = arith.constant 0 : i32
    %dma_start3A_78 = tpu.memref_slice %arg2[%dma_start3A_76, %dma_start3A_77] : memref<10000x128xf32, #tpu.memory_space<hbm>> -> memref<10000x128xf32, #tpu.memory_space<hbm>>
    tpu.enqueue_indirect_dma source(%dma_start3A_78 : memref<10000x128xf32, #tpu.memory_space<hbm>>) target(%dma_start3A_73 : memref<16x128xf32, #tpu.memory_space<vmem>>) offsets(%dma_start3A_75 : memref<16xi32, #tpu.memory_space<vmem>>) semaphore(%arg13 : memref<!tpu.dma_semaphore, #tpu.memory_space<semaphore_mem>>)
    %dma_wait3A_79 = arith.constant 0 : i32
    %dma_wait3A_80 = arith.constant 0 : i32
    %dma_wait3A_81 = tpu.memref_slice %arg11[%dma_wait3A_79, %dma_wait3A_80] : memref<104x128xf32, #tpu.memory_space<vmem>> -> memref<16x128xf32, #tpu.memory_space<vmem>>
    %dma_wait3A_82 = arith.constant 9984 : i32
    %dma_wait3A_83 = tpu.memref_slice %arg8[%dma_wait3A_82] : memref<10000xi32, #tpu.memory_space<vmem>> -> memref<16xi32, #tpu.memory_space<vmem>>
    %dma_wait3A_84 = arith.constant 0 : i32
    %dma_wait3A_85 = arith.constant 0 : i32
    %dma_wait3A_86 = tpu.memref_slice %arg2[%dma_wait3A_84, %dma_wait3A_85] : memref<10000x128xf32, #tpu.memory_space<hbm>> -> memref<10000x128xf32, #tpu.memory_space<hbm>>
    tpu.wait_indirect_dma semaphore(%arg13 : memref<!tpu.dma_semaphore, #tpu.memory_space<semaphore_mem>>) src(%dma_wait3A_86 : memref<10000x128xf32, #tpu.memory_space<hbm>>) dst(%dma_wait3A_81 : memref<16x128xf32, #tpu.memory_space<vmem>>)
    "tpu.region"() ({
      %run_scoped3A_92 = tpu.sem_alloc : memref<!tpu.dma_semaphore, #tpu.memory_space<semaphore_mem>>
      %dma_start3A_93 = arith.constant 0 : i32
      %dma_start3A_94 = arith.constant 0 : i32
      %dma_start3A_95 = tpu.memref_slice %arg11[%dma_start3A_93, %dma_start3A_94] : memref<104x128xf32, #tpu.memory_space<vmem>> -> memref<16x128xf32, #tpu.memory_space<vmem>>
      %dma_start3A_96 = arith.constant 0 : i32
      %dma_start3A_97 = arith.constant 0 : i32
      %dma_start3A_98 = tpu.memref_slice %arg15[%dma_start3A_96, %dma_start3A_97] : memref<10112x128xf32, #tpu.memory_space<vmem_shared>> -> memref<10112x128xf32, #tpu.memory_space<vmem_shared>>
      tpu.enqueue_indirect_dma source(%dma_start3A_95 : memref<16x128xf32, #tpu.memory_space<vmem>>) target(%dma_start3A_98 : memref<10112x128xf32, #tpu.memory_space<vmem_shared>>) offsets(%arg10 : memref<16xi32, #tpu.memory_space<vmem>>) semaphore(%run_scoped3A_92 : memref<!tpu.dma_semaphore, #tpu.memory_space<semaphore_mem>>) {add = true}
      %dma_wait3A_99 = arith.constant 0 : i32
      %dma_wait3A_100 = arith.constant 0 : i32
      %dma_wait3A_101 = tpu.memref_slice %arg11[%dma_wait3A_99, %dma_wait3A_100] : memref<104x128xf32, #tpu.memory_space<vmem>> -> memref<16x128xf32, #tpu.memory_space<vmem>>
      %dma_wait3A_102 = arith.constant 0 : i32
      %dma_wait3A_103 = arith.constant 0 : i32
      %dma_wait3A_104 = tpu.memref_slice %arg15[%dma_wait3A_102, %dma_wait3A_103] : memref<10112x128xf32, #tpu.memory_space<vmem_shared>> -> memref<10112x128xf32, #tpu.memory_space<vmem_shared>>
      tpu.wait_indirect_dma semaphore(%run_scoped3A_92 : memref<!tpu.dma_semaphore, #tpu.memory_space<semaphore_mem>>) src(%dma_wait3A_101 : memref<16x128xf32, #tpu.memory_space<vmem>>) dst(%dma_wait3A_104 : memref<10112x128xf32, #tpu.memory_space<vmem_shared>>)
      tpu.yield
    }) : () -> ()
    %barrier3A_87 = arith.constant 0 : index
    tpu.barrier barrier_id(%barrier3A_87)
    %mul3A_88 = arith.constant 632 : i32
    %mul3A_89 = arith.muli %arg1, %mul3A_88 : i32
    %mul3A_90 = arith.constant 632 : i32
    %mul3A_91 = arith.muli %arg1, %mul3A_90 : i32
    "tpu.region"() ({
      %run_scoped3A_92 = tpu.sem_alloc : memref<!tpu.dma_semaphore, #tpu.memory_space<semaphore_mem>>
      %dma_start3A_93 = arith.constant 0 : i32
      %dma_start3A_94 = tpu.memref_slice %arg7[%arg0, %mul3A_91, %dma_start3A_93] : memref<2x10112x128xf32, #tpu.memory_space<hbm>> -> memref<1x632x128xf32, #tpu.memory_space<hbm>>
      %dma_start3A_95 = tpu.memref_squeeze %dma_start3A_94 : memref<1x632x128xf32, #tpu.memory_space<hbm>> -> memref<632x128xf32, #tpu.memory_space<hbm>>
      %dma_start3A_96 = arith.constant 0 : i32
      %dma_start3A_97 = tpu.memref_slice %arg15[%mul3A_89, %dma_start3A_96] : memref<10112x128xf32, #tpu.memory_space<vmem_shared>> -> memref<632x128xf32, #tpu.memory_space<vmem_shared>>
      tpu.enqueue_dma source(%dma_start3A_97 : memref<632x128xf32, #tpu.memory_space<vmem_shared>>) target(%dma_start3A_95 : memref<632x128xf32, #tpu.memory_space<hbm>>) target_semaphore(%run_scoped3A_92 : memref<!tpu.dma_semaphore, #tpu.memory_space<semaphore_mem>>)
      %dma_wait3A_98 = arith.constant 0 : i32
      %dma_wait3A_99 = tpu.memref_slice %arg7[%arg0, %mul3A_91, %dma_wait3A_98] : memref<2x10112x128xf32, #tpu.memory_space<hbm>> -> memref<1x632x128xf32, #tpu.memory_space<hbm>>
      %dma_wait3A_100 = tpu.memref_squeeze %dma_wait3A_99 : memref<1x632x128xf32, #tpu.memory_space<hbm>> -> memref<632x128xf32, #tpu.memory_space<hbm>>
      %dma_wait3A_101 = arith.constant 0 : i32
      %dma_wait3A_102 = tpu.memref_slice %arg15[%mul3A_89, %dma_wait3A_101] : memref<10112x128xf32, #tpu.memory_space<vmem_shared>> -> memref<632x128xf32, #tpu.memory_space<vmem_shared>>
      tpu.wait_dma2 semaphore(%run_scoped3A_92 : memref<!tpu.dma_semaphore, #tpu.memory_space<semaphore_mem>>) src(%dma_wait3A_102 : memref<632x128xf32, #tpu.memory_space<vmem_shared>>) dst(%dma_wait3A_100 : memref<632x128xf32, #tpu.memory_space<hbm>>)
      tpu.yield
    }) : () -> ()
    return
  }
}

#map = affine_map<(d0, d1) -> (0, 0)>
#map1 = affine_map<(d0, d1) -> (0, 0, 0)>
module attributes {stable_mosaic.version = 14 : i64} {
  func.func @_agg_kernel(%arg0: i32, %arg1: i32, %arg2: memref<10000x128xf32, #tpu.memory_space<hbm>>, %arg3: memref<32x10000xi32, #tpu.memory_space<hbm>>, %arg4: memref<32x96x104xi32, #tpu.memory_space<hbm>>, %arg5: memref<32x16xi32, #tpu.memory_space<hbm>>, %arg6: memref<632x128xf32, #tpu.memory_space<hbm>>, %arg7: memref<2x10112x128xf32, #tpu.memory_space<hbm>>, %arg8: memref<10000xi32, #tpu.memory_space<vmem>>, %arg9: memref<96x104xi32, #tpu.memory_space<vmem>>, %arg10: memref<16xi32, #tpu.memory_space<vmem>>, %arg11: memref<104x128xf32, #tpu.memory_space<vmem>>, %arg12: memref<104x128xf32, #tpu.memory_space<vmem>>, %arg13: memref<!tpu.dma_semaphore, #tpu.memory_space<semaphore_mem>>, %arg14: memref<!tpu.dma_semaphore, #tpu.memory_space<semaphore_mem>>, %arg15: memref<10112x128xf32, #tpu.memory_space<vmem_shared>>) attributes {dimension_semantics = [#tpu.dimension_semantics<core_parallel>, #tpu.dimension_semantics<subcore_parallel>], iteration_bounds = array<i64: 2, 16>, scalar_prefetch = 0 : i64, scratch_operands = 8 : i64, tpu.core_type = #tpu.core_type<sc_vector_subcore>, window_params = [{transform_indices = #map}, {transform_indices = #map}, {transform_indices = #map1}, {transform_indices = #map}, {transform_indices = #map}, {transform_indices = #map1}]} {
    %mul3A = arith.constant 2 : i32
    %mul3A_0 = arith.muli %arg1, %mul3A : i32
    %add3A = arith.addi %mul3A_0, %arg0 : i32
    %mul3A_1 = arith.constant 632 : i32
    %mul3A_2 = arith.muli %arg1, %mul3A_1 : i32
    %dma_start3A = arith.constant 0 : i32
    %dma_start3A_3 = tpu.memref_slice %arg15[%mul3A_2, %dma_start3A] : memref<10112x128xf32, #tpu.memory_space<vmem_shared>> -> memref<632x128xf32, #tpu.memory_space<vmem_shared>>
    tpu.enqueue_dma source(%arg6 : memref<632x128xf32, #tpu.memory_space<hbm>>) target(%dma_start3A_3 : memref<632x128xf32, #tpu.memory_space<vmem_shared>>) target_semaphore(%arg13 : memref<!tpu.dma_semaphore, #tpu.memory_space<semaphore_mem>>)
    %dma_start3A_4 = arith.constant 0 : i32
    %dma_start3A_5 = tpu.memref_slice %arg3[%add3A, %dma_start3A_4] : memref<32x10000xi32, #tpu.memory_space<hbm>> -> memref<1x10000xi32, #tpu.memory_space<hbm>>
    %dma_start3A_6 = tpu.memref_squeeze %dma_start3A_5 : memref<1x10000xi32, #tpu.memory_space<hbm>> -> memref<10000xi32, #tpu.memory_space<hbm>>
    %dma_start3A_7 = arith.constant 0 : i32
    %dma_start3A_8 = tpu.memref_slice %arg3[%add3A, %dma_start3A_7] : memref<32x10000xi32, #tpu.memory_space<hbm>> -> memref<1x10000xi32, #tpu.memory_space<hbm>>
    %dma_start3A_9 = tpu.memref_squeeze %dma_start3A_8 : memref<1x10000xi32, #tpu.memory_space<hbm>> -> memref<10000xi32, #tpu.memory_space<hbm>>
    tpu.enqueue_dma source(%dma_start3A_9 : memref<10000xi32, #tpu.memory_space<hbm>>) target(%arg8 : memref<10000xi32, #tpu.memory_space<vmem>>) target_semaphore(%arg14 : memref<!tpu.dma_semaphore, #tpu.memory_space<semaphore_mem>>)
    %dma_start3A_10 = arith.constant 0 : i32
    %dma_start3A_11 = arith.constant 0 : i32
    %dma_start3A_12 = tpu.memref_slice %arg4[%add3A, %dma_start3A_10, %dma_start3A_11] : memref<32x96x104xi32, #tpu.memory_space<hbm>> -> memref<1x96x104xi32, #tpu.memory_space<hbm>>
    %dma_start3A_13 = tpu.memref_squeeze %dma_start3A_12 : memref<1x96x104xi32, #tpu.memory_space<hbm>> -> memref<96x104xi32, #tpu.memory_space<hbm>>
    %dma_start3A_14 = arith.constant 0 : i32
    %dma_start3A_15 = arith.constant 0 : i32
    %dma_start3A_16 = tpu.memref_slice %arg4[%add3A, %dma_start3A_14, %dma_start3A_15] : memref<32x96x104xi32, #tpu.memory_space<hbm>> -> memref<1x96x104xi32, #tpu.memory_space<hbm>>
    %dma_start3A_17 = tpu.memref_squeeze %dma_start3A_16 : memref<1x96x104xi32, #tpu.memory_space<hbm>> -> memref<96x104xi32, #tpu.memory_space<hbm>>
    tpu.enqueue_dma source(%dma_start3A_17 : memref<96x104xi32, #tpu.memory_space<hbm>>) target(%arg9 : memref<96x104xi32, #tpu.memory_space<vmem>>) target_semaphore(%arg13 : memref<!tpu.dma_semaphore, #tpu.memory_space<semaphore_mem>>)
    %dma_start3A_18 = arith.constant 0 : i32
    %dma_start3A_19 = tpu.memref_slice %arg5[%add3A, %dma_start3A_18] : memref<32x16xi32, #tpu.memory_space<hbm>> -> memref<1x16xi32, #tpu.memory_space<hbm>>
    %dma_start3A_20 = tpu.memref_squeeze %dma_start3A_19 : memref<1x16xi32, #tpu.memory_space<hbm>> -> memref<16xi32, #tpu.memory_space<hbm>>
    %dma_start3A_21 = arith.constant 0 : i32
    %dma_start3A_22 = tpu.memref_slice %arg5[%add3A, %dma_start3A_21] : memref<32x16xi32, #tpu.memory_space<hbm>> -> memref<1x16xi32, #tpu.memory_space<hbm>>
    %dma_start3A_23 = tpu.memref_squeeze %dma_start3A_22 : memref<1x16xi32, #tpu.memory_space<hbm>> -> memref<16xi32, #tpu.memory_space<hbm>>
    tpu.enqueue_dma source(%dma_start3A_23 : memref<16xi32, #tpu.memory_space<hbm>>) target(%arg10 : memref<16xi32, #tpu.memory_space<vmem>>) target_semaphore(%arg14 : memref<!tpu.dma_semaphore, #tpu.memory_space<semaphore_mem>>)
    %dma_wait3A = arith.constant 0 : i32
    %dma_wait3A_24 = tpu.memref_slice %arg15[%mul3A_2, %dma_wait3A] : memref<10112x128xf32, #tpu.memory_space<vmem_shared>> -> memref<632x128xf32, #tpu.memory_space<vmem_shared>>
    tpu.wait_dma2 semaphore(%arg13 : memref<!tpu.dma_semaphore, #tpu.memory_space<semaphore_mem>>) src(%arg6 : memref<632x128xf32, #tpu.memory_space<hbm>>) dst(%dma_wait3A_24 : memref<632x128xf32, #tpu.memory_space<vmem_shared>>)
    %dma_wait3A_25 = arith.constant 0 : i32
    %dma_wait3A_26 = tpu.memref_slice %arg3[%add3A, %dma_wait3A_25] : memref<32x10000xi32, #tpu.memory_space<hbm>> -> memref<1x10000xi32, #tpu.memory_space<hbm>>
    %dma_wait3A_27 = tpu.memref_squeeze %dma_wait3A_26 : memref<1x10000xi32, #tpu.memory_space<hbm>> -> memref<10000xi32, #tpu.memory_space<hbm>>
    %dma_wait3A_28 = arith.constant 0 : i32
    %dma_wait3A_29 = tpu.memref_slice %arg3[%add3A, %dma_wait3A_28] : memref<32x10000xi32, #tpu.memory_space<hbm>> -> memref<1x10000xi32, #tpu.memory_space<hbm>>
    %dma_wait3A_30 = tpu.memref_squeeze %dma_wait3A_29 : memref<1x10000xi32, #tpu.memory_space<hbm>> -> memref<10000xi32, #tpu.memory_space<hbm>>
    tpu.wait_dma2 semaphore(%arg14 : memref<!tpu.dma_semaphore, #tpu.memory_space<semaphore_mem>>) src(%dma_wait3A_30 : memref<10000xi32, #tpu.memory_space<hbm>>) dst(%arg8 : memref<10000xi32, #tpu.memory_space<vmem>>)
    %dma_wait3A_31 = arith.constant 0 : i32
    %dma_wait3A_32 = arith.constant 0 : i32
    %dma_wait3A_33 = tpu.memref_slice %arg4[%add3A, %dma_wait3A_31, %dma_wait3A_32] : memref<32x96x104xi32, #tpu.memory_space<hbm>> -> memref<1x96x104xi32, #tpu.memory_space<hbm>>
    %dma_wait3A_34 = tpu.memref_squeeze %dma_wait3A_33 : memref<1x96x104xi32, #tpu.memory_space<hbm>> -> memref<96x104xi32, #tpu.memory_space<hbm>>
    %dma_wait3A_35 = arith.constant 0 : i32
    %dma_wait3A_36 = arith.constant 0 : i32
    %dma_wait3A_37 = tpu.memref_slice %arg4[%add3A, %dma_wait3A_35, %dma_wait3A_36] : memref<32x96x104xi32, #tpu.memory_space<hbm>> -> memref<1x96x104xi32, #tpu.memory_space<hbm>>
    %dma_wait3A_38 = tpu.memref_squeeze %dma_wait3A_37 : memref<1x96x104xi32, #tpu.memory_space<hbm>> -> memref<96x104xi32, #tpu.memory_space<hbm>>
    tpu.wait_dma2 semaphore(%arg13 : memref<!tpu.dma_semaphore, #tpu.memory_space<semaphore_mem>>) src(%dma_wait3A_38 : memref<96x104xi32, #tpu.memory_space<hbm>>) dst(%arg9 : memref<96x104xi32, #tpu.memory_space<vmem>>)
    %dma_wait3A_39 = arith.constant 0 : i32
    %dma_wait3A_40 = tpu.memref_slice %arg5[%add3A, %dma_wait3A_39] : memref<32x16xi32, #tpu.memory_space<hbm>> -> memref<1x16xi32, #tpu.memory_space<hbm>>
    %dma_wait3A_41 = tpu.memref_squeeze %dma_wait3A_40 : memref<1x16xi32, #tpu.memory_space<hbm>> -> memref<16xi32, #tpu.memory_space<hbm>>
    %dma_wait3A_42 = arith.constant 0 : i32
    %dma_wait3A_43 = tpu.memref_slice %arg5[%add3A, %dma_wait3A_42] : memref<32x16xi32, #tpu.memory_space<hbm>> -> memref<1x16xi32, #tpu.memory_space<hbm>>
    %dma_wait3A_44 = tpu.memref_squeeze %dma_wait3A_43 : memref<1x16xi32, #tpu.memory_space<hbm>> -> memref<16xi32, #tpu.memory_space<hbm>>
    tpu.wait_dma2 semaphore(%arg14 : memref<!tpu.dma_semaphore, #tpu.memory_space<semaphore_mem>>) src(%dma_wait3A_44 : memref<16xi32, #tpu.memory_space<hbm>>) dst(%arg10 : memref<16xi32, #tpu.memory_space<vmem>>)
    %barrier3A = arith.constant 0 : index
    tpu.barrier barrier_id(%barrier3A)
    %dma_start3A_45 = arith.constant 0 : i32
    %dma_start3A_46 = tpu.memref_slice %arg8[%dma_start3A_45] : memref<10000xi32, #tpu.memory_space<vmem>> -> memref<104xi32, #tpu.memory_space<vmem>>
    %dma_start3A_47 = arith.constant 0 : i32
    %dma_start3A_48 = arith.constant 0 : i32
    %dma_start3A_49 = tpu.memref_slice %arg2[%dma_start3A_47, %dma_start3A_48] : memref<10000x128xf32, #tpu.memory_space<hbm>> -> memref<10000x128xf32, #tpu.memory_space<hbm>>
    tpu.enqueue_indirect_dma source(%dma_start3A_49 : memref<10000x128xf32, #tpu.memory_space<hbm>>) target(%arg11 : memref<104x128xf32, #tpu.memory_space<vmem>>) offsets(%dma_start3A_46 : memref<104xi32, #tpu.memory_space<vmem>>) semaphore(%arg13 : memref<!tpu.dma_semaphore, #tpu.memory_space<semaphore_mem>>)
    %scan3A = arith.constant 0 : i32
    %scan3A_50 = arith.constant 0 : i32
    %scan3A_51 = arith.constant 47 : i32
    %scan3A_52 = arith.addi %scan3A_50, %scan3A_51 : i32
    %scan3A_53 = arith.constant 1 : i32
    scf.for %scan3A_92 = %scan3A_50 to %scan3A_52 step %scan3A_53  : i32 {
      %mul3A_93 = arith.constant 2 : i32
      %mul3A_94 = arith.muli %mul3A_93, %scan3A_92 : i32
      %add3A_95 = arith.constant 1 : i32
      %add3A_96 = arith.addi %mul3A_94, %add3A_95 : i32
      %mul3A_97 = arith.constant 104 : i32
      %mul3A_98 = arith.muli %add3A_96, %mul3A_97 : i32
      %dma_start3A_99 = tpu.memref_slice %arg8[%mul3A_98] : memref<10000xi32, #tpu.memory_space<vmem>> -> memref<104xi32, #tpu.memory_space<vmem>>
      %dma_start3A_100 = arith.constant 0 : i32
      %dma_start3A_101 = arith.constant 0 : i32
      %dma_start3A_102 = tpu.memref_slice %arg2[%dma_start3A_100, %dma_start3A_101] : memref<10000x128xf32, #tpu.memory_space<hbm>> -> memref<10000x128xf32, #tpu.memory_space<hbm>>
      tpu.enqueue_indirect_dma source(%dma_start3A_102 : memref<10000x128xf32, #tpu.memory_space<hbm>>) target(%arg12 : memref<104x128xf32, #tpu.memory_space<vmem>>) offsets(%dma_start3A_99 : memref<104xi32, #tpu.memory_space<vmem>>) semaphore(%arg14 : memref<!tpu.dma_semaphore, #tpu.memory_space<semaphore_mem>>)
      %mul3A_103 = arith.constant 104 : i32
      %mul3A_104 = arith.muli %mul3A_94, %mul3A_103 : i32
      %dma_wait3A_105 = tpu.memref_slice %arg8[%mul3A_104] : memref<10000xi32, #tpu.memory_space<vmem>> -> memref<104xi32, #tpu.memory_space<vmem>>
      %dma_wait3A_106 = arith.constant 0 : i32
      %dma_wait3A_107 = arith.constant 0 : i32
      %dma_wait3A_108 = tpu.memref_slice %arg2[%dma_wait3A_106, %dma_wait3A_107] : memref<10000x128xf32, #tpu.memory_space<hbm>> -> memref<10000x128xf32, #tpu.memory_space<hbm>>
      tpu.wait_indirect_dma semaphore(%arg13 : memref<!tpu.dma_semaphore, #tpu.memory_space<semaphore_mem>>) src(%dma_wait3A_108 : memref<10000x128xf32, #tpu.memory_space<hbm>>) dst(%arg11 : memref<104x128xf32, #tpu.memory_space<vmem>>)
      "tpu.region"() ({
        %run_scoped3A_127 = tpu.sem_alloc : memref<!tpu.dma_semaphore, #tpu.memory_space<semaphore_mem>>
        %dma_start3A_128 = arith.constant 0 : i32
        %dma_start3A_129 = tpu.memref_slice %arg9[%mul3A_94, %dma_start3A_128] : memref<96x104xi32, #tpu.memory_space<vmem>> -> memref<1x104xi32, #tpu.memory_space<vmem>>
        %dma_start3A_130 = tpu.memref_squeeze %dma_start3A_129 : memref<1x104xi32, #tpu.memory_space<vmem>> -> memref<104xi32, #tpu.memory_space<vmem>>
        %dma_start3A_131 = arith.constant 0 : i32
        %dma_start3A_132 = arith.constant 0 : i32
        %dma_start3A_133 = tpu.memref_slice %arg15[%dma_start3A_131, %dma_start3A_132] : memref<10112x128xf32, #tpu.memory_space<vmem_shared>> -> memref<10112x128xf32, #tpu.memory_space<vmem_shared>>
        tpu.enqueue_indirect_dma source(%arg11 : memref<104x128xf32, #tpu.memory_space<vmem>>) target(%dma_start3A_133 : memref<10112x128xf32, #tpu.memory_space<vmem_shared>>) offsets(%dma_start3A_130 : memref<104xi32, #tpu.memory_space<vmem>>) semaphore(%run_scoped3A_127 : memref<!tpu.dma_semaphore, #tpu.memory_space<semaphore_mem>>) {add = true}
        %dma_wait3A_134 = arith.constant 0 : i32
        %dma_wait3A_135 = tpu.memref_slice %arg9[%mul3A_94, %dma_wait3A_134] : memref<96x104xi32, #tpu.memory_space<vmem>> -> memref<1x104xi32, #tpu.memory_space<vmem>>
        %dma_wait3A_136 = tpu.memref_squeeze %dma_wait3A_135 : memref<1x104xi32, #tpu.memory_space<vmem>> -> memref<104xi32, #tpu.memory_space<vmem>>
        %dma_wait3A_137 = arith.constant 0 : i32
        %dma_wait3A_138 = arith.constant 0 : i32
        %dma_wait3A_139 = tpu.memref_slice %arg15[%dma_wait3A_137, %dma_wait3A_138] : memref<10112x128xf32, #tpu.memory_space<vmem_shared>> -> memref<10112x128xf32, #tpu.memory_space<vmem_shared>>
        tpu.wait_indirect_dma semaphore(%run_scoped3A_127 : memref<!tpu.dma_semaphore, #tpu.memory_space<semaphore_mem>>) src(%arg11 : memref<104x128xf32, #tpu.memory_space<vmem>>) dst(%dma_wait3A_139 : memref<10112x128xf32, #tpu.memory_space<vmem_shared>>)
        tpu.yield
      }) : () -> ()
      %add3A_109 = arith.constant 2 : i32
      %add3A_110 = arith.addi %mul3A_94, %add3A_109 : i32
      %mul3A_111 = arith.constant 104 : i32
      %mul3A_112 = arith.muli %add3A_110, %mul3A_111 : i32
      %dma_start3A_113 = tpu.memref_slice %arg8[%mul3A_112] : memref<10000xi32, #tpu.memory_space<vmem>> -> memref<104xi32, #tpu.memory_space<vmem>>
      %dma_start3A_114 = arith.constant 0 : i32
      %dma_start3A_115 = arith.constant 0 : i32
      %dma_start3A_116 = tpu.memref_slice %arg2[%dma_start3A_114, %dma_start3A_115] : memref<10000x128xf32, #tpu.memory_space<hbm>> -> memref<10000x128xf32, #tpu.memory_space<hbm>>
      tpu.enqueue_indirect_dma source(%dma_start3A_116 : memref<10000x128xf32, #tpu.memory_space<hbm>>) target(%arg11 : memref<104x128xf32, #tpu.memory_space<vmem>>) offsets(%dma_start3A_113 : memref<104xi32, #tpu.memory_space<vmem>>) semaphore(%arg13 : memref<!tpu.dma_semaphore, #tpu.memory_space<semaphore_mem>>)
      %add3A_117 = arith.constant 1 : i32
      %add3A_118 = arith.addi %mul3A_94, %add3A_117 : i32
      %mul3A_119 = arith.constant 104 : i32
      %mul3A_120 = arith.muli %add3A_118, %mul3A_119 : i32
      %dma_wait3A_121 = tpu.memref_slice %arg8[%mul3A_120] : memref<10000xi32, #tpu.memory_space<vmem>> -> memref<104xi32, #tpu.memory_space<vmem>>
      %dma_wait3A_122 = arith.constant 0 : i32
      %dma_wait3A_123 = arith.constant 0 : i32
      %dma_wait3A_124 = tpu.memref_slice %arg2[%dma_wait3A_122, %dma_wait3A_123] : memref<10000x128xf32, #tpu.memory_space<hbm>> -> memref<10000x128xf32, #tpu.memory_space<hbm>>
      tpu.wait_indirect_dma semaphore(%arg14 : memref<!tpu.dma_semaphore, #tpu.memory_space<semaphore_mem>>) src(%dma_wait3A_124 : memref<10000x128xf32, #tpu.memory_space<hbm>>) dst(%arg12 : memref<104x128xf32, #tpu.memory_space<vmem>>)
      %add3A_125 = arith.constant 1 : i32
      %add3A_126 = arith.addi %mul3A_94, %add3A_125 : i32
      "tpu.region"() ({
        %run_scoped3A_127 = tpu.sem_alloc : memref<!tpu.dma_semaphore, #tpu.memory_space<semaphore_mem>>
        %dma_start3A_128 = arith.constant 0 : i32
        %dma_start3A_129 = tpu.memref_slice %arg9[%add3A_126, %dma_start3A_128] : memref<96x104xi32, #tpu.memory_space<vmem>> -> memref<1x104xi32, #tpu.memory_space<vmem>>
        %dma_start3A_130 = tpu.memref_squeeze %dma_start3A_129 : memref<1x104xi32, #tpu.memory_space<vmem>> -> memref<104xi32, #tpu.memory_space<vmem>>
        %dma_start3A_131 = arith.constant 0 : i32
        %dma_start3A_132 = arith.constant 0 : i32
        %dma_start3A_133 = tpu.memref_slice %arg15[%dma_start3A_131, %dma_start3A_132] : memref<10112x128xf32, #tpu.memory_space<vmem_shared>> -> memref<10112x128xf32, #tpu.memory_space<vmem_shared>>
        tpu.enqueue_indirect_dma source(%arg12 : memref<104x128xf32, #tpu.memory_space<vmem>>) target(%dma_start3A_133 : memref<10112x128xf32, #tpu.memory_space<vmem_shared>>) offsets(%dma_start3A_130 : memref<104xi32, #tpu.memory_space<vmem>>) semaphore(%run_scoped3A_127 : memref<!tpu.dma_semaphore, #tpu.memory_space<semaphore_mem>>) {add = true}
        %dma_wait3A_134 = arith.constant 0 : i32
        %dma_wait3A_135 = tpu.memref_slice %arg9[%add3A_126, %dma_wait3A_134] : memref<96x104xi32, #tpu.memory_space<vmem>> -> memref<1x104xi32, #tpu.memory_space<vmem>>
        %dma_wait3A_136 = tpu.memref_squeeze %dma_wait3A_135 : memref<1x104xi32, #tpu.memory_space<vmem>> -> memref<104xi32, #tpu.memory_space<vmem>>
        %dma_wait3A_137 = arith.constant 0 : i32
        %dma_wait3A_138 = arith.constant 0 : i32
        %dma_wait3A_139 = tpu.memref_slice %arg15[%dma_wait3A_137, %dma_wait3A_138] : memref<10112x128xf32, #tpu.memory_space<vmem_shared>> -> memref<10112x128xf32, #tpu.memory_space<vmem_shared>>
        tpu.wait_indirect_dma semaphore(%run_scoped3A_127 : memref<!tpu.dma_semaphore, #tpu.memory_space<semaphore_mem>>) src(%arg12 : memref<104x128xf32, #tpu.memory_space<vmem>>) dst(%dma_wait3A_139 : memref<10112x128xf32, #tpu.memory_space<vmem_shared>>)
        tpu.yield
      }) : () -> ()
    }
    %scan3A_54 = arith.constant 47 : i32
    %dma_start3A_55 = arith.constant 9880 : i32
    %dma_start3A_56 = tpu.memref_slice %arg8[%dma_start3A_55] : memref<10000xi32, #tpu.memory_space<vmem>> -> memref<104xi32, #tpu.memory_space<vmem>>
    %dma_start3A_57 = arith.constant 0 : i32
    %dma_start3A_58 = arith.constant 0 : i32
    %dma_start3A_59 = tpu.memref_slice %arg2[%dma_start3A_57, %dma_start3A_58] : memref<10000x128xf32, #tpu.memory_space<hbm>> -> memref<10000x128xf32, #tpu.memory_space<hbm>>
    tpu.enqueue_indirect_dma source(%dma_start3A_59 : memref<10000x128xf32, #tpu.memory_space<hbm>>) target(%arg12 : memref<104x128xf32, #tpu.memory_space<vmem>>) offsets(%dma_start3A_56 : memref<104xi32, #tpu.memory_space<vmem>>) semaphore(%arg14 : memref<!tpu.dma_semaphore, #tpu.memory_space<semaphore_mem>>)
    %dma_wait3A_60 = arith.constant 9776 : i32
    %dma_wait3A_61 = tpu.memref_slice %arg8[%dma_wait3A_60] : memref<10000xi32, #tpu.memory_space<vmem>> -> memref<104xi32, #tpu.memory_space<vmem>>
    %dma_wait3A_62 = arith.constant 0 : i32
    %dma_wait3A_63 = arith.constant 0 : i32
    %dma_wait3A_64 = tpu.memref_slice %arg2[%dma_wait3A_62, %dma_wait3A_63] : memref<10000x128xf32, #tpu.memory_space<hbm>> -> memref<10000x128xf32, #tpu.memory_space<hbm>>
    tpu.wait_indirect_dma semaphore(%arg13 : memref<!tpu.dma_semaphore, #tpu.memory_space<semaphore_mem>>) src(%dma_wait3A_64 : memref<10000x128xf32, #tpu.memory_space<hbm>>) dst(%arg11 : memref<104x128xf32, #tpu.memory_space<vmem>>)
    %run_scoped3A = arith.constant 94 : i32
    "tpu.region"() ({
      %run_scoped3A_92 = tpu.sem_alloc : memref<!tpu.dma_semaphore, #tpu.memory_space<semaphore_mem>>
      %dma_start3A_93 = arith.constant 0 : i32
      %dma_start3A_94 = tpu.memref_slice %arg9[%run_scoped3A, %dma_start3A_93] : memref<96x104xi32, #tpu.memory_space<vmem>> -> memref<1x104xi32, #tpu.memory_space<vmem>>
      %dma_start3A_95 = tpu.memref_squeeze %dma_start3A_94 : memref<1x104xi32, #tpu.memory_space<vmem>> -> memref<104xi32, #tpu.memory_space<vmem>>
      %dma_start3A_96 = arith.constant 0 : i32
      %dma_start3A_97 = arith.constant 0 : i32
      %dma_start3A_98 = tpu.memref_slice %arg15[%dma_start3A_96, %dma_start3A_97] : memref<10112x128xf32, #tpu.memory_space<vmem_shared>> -> memref<10112x128xf32, #tpu.memory_space<vmem_shared>>
      tpu.enqueue_indirect_dma source(%arg11 : memref<104x128xf32, #tpu.memory_space<vmem>>) target(%dma_start3A_98 : memref<10112x128xf32, #tpu.memory_space<vmem_shared>>) offsets(%dma_start3A_95 : memref<104xi32, #tpu.memory_space<vmem>>) semaphore(%run_scoped3A_92 : memref<!tpu.dma_semaphore, #tpu.memory_space<semaphore_mem>>) {add = true}
      %dma_wait3A_99 = arith.constant 0 : i32
      %dma_wait3A_100 = tpu.memref_slice %arg9[%run_scoped3A, %dma_wait3A_99] : memref<96x104xi32, #tpu.memory_space<vmem>> -> memref<1x104xi32, #tpu.memory_space<vmem>>
      %dma_wait3A_101 = tpu.memref_squeeze %dma_wait3A_100 : memref<1x104xi32, #tpu.memory_space<vmem>> -> memref<104xi32, #tpu.memory_space<vmem>>
      %dma_wait3A_102 = arith.constant 0 : i32
      %dma_wait3A_103 = arith.constant 0 : i32
      %dma_wait3A_104 = tpu.memref_slice %arg15[%dma_wait3A_102, %dma_wait3A_103] : memref<10112x128xf32, #tpu.memory_space<vmem_shared>> -> memref<10112x128xf32, #tpu.memory_space<vmem_shared>>
      tpu.wait_indirect_dma semaphore(%run_scoped3A_92 : memref<!tpu.dma_semaphore, #tpu.memory_space<semaphore_mem>>) src(%arg11 : memref<104x128xf32, #tpu.memory_space<vmem>>) dst(%dma_wait3A_104 : memref<10112x128xf32, #tpu.memory_space<vmem_shared>>)
      tpu.yield
    }) : () -> ()
    %dma_wait3A_65 = arith.constant 9880 : i32
    %dma_wait3A_66 = tpu.memref_slice %arg8[%dma_wait3A_65] : memref<10000xi32, #tpu.memory_space<vmem>> -> memref<104xi32, #tpu.memory_space<vmem>>
    %dma_wait3A_67 = arith.constant 0 : i32
    %dma_wait3A_68 = arith.constant 0 : i32
    %dma_wait3A_69 = tpu.memref_slice %arg2[%dma_wait3A_67, %dma_wait3A_68] : memref<10000x128xf32, #tpu.memory_space<hbm>> -> memref<10000x128xf32, #tpu.memory_space<hbm>>
    tpu.wait_indirect_dma semaphore(%arg14 : memref<!tpu.dma_semaphore, #tpu.memory_space<semaphore_mem>>) src(%dma_wait3A_69 : memref<10000x128xf32, #tpu.memory_space<hbm>>) dst(%arg12 : memref<104x128xf32, #tpu.memory_space<vmem>>)
    %run_scoped3A_70 = arith.constant 95 : i32
    "tpu.region"() ({
      %run_scoped3A_92 = tpu.sem_alloc : memref<!tpu.dma_semaphore, #tpu.memory_space<semaphore_mem>>
      %dma_start3A_93 = arith.constant 0 : i32
      %dma_start3A_94 = tpu.memref_slice %arg9[%run_scoped3A_70, %dma_start3A_93] : memref<96x104xi32, #tpu.memory_space<vmem>> -> memref<1x104xi32, #tpu.memory_space<vmem>>
      %dma_start3A_95 = tpu.memref_squeeze %dma_start3A_94 : memref<1x104xi32, #tpu.memory_space<vmem>> -> memref<104xi32, #tpu.memory_space<vmem>>
      %dma_start3A_96 = arith.constant 0 : i32
      %dma_start3A_97 = arith.constant 0 : i32
      %dma_start3A_98 = tpu.memref_slice %arg15[%dma_start3A_96, %dma_start3A_97] : memref<10112x128xf32, #tpu.memory_space<vmem_shared>> -> memref<10112x128xf32, #tpu.memory_space<vmem_shared>>
      tpu.enqueue_indirect_dma source(%arg12 : memref<104x128xf32, #tpu.memory_space<vmem>>) target(%dma_start3A_98 : memref<10112x128xf32, #tpu.memory_space<vmem_shared>>) offsets(%dma_start3A_95 : memref<104xi32, #tpu.memory_space<vmem>>) semaphore(%run_scoped3A_92 : memref<!tpu.dma_semaphore, #tpu.memory_space<semaphore_mem>>) {add = true}
      %dma_wait3A_99 = arith.constant 0 : i32
      %dma_wait3A_100 = tpu.memref_slice %arg9[%run_scoped3A_70, %dma_wait3A_99] : memref<96x104xi32, #tpu.memory_space<vmem>> -> memref<1x104xi32, #tpu.memory_space<vmem>>
      %dma_wait3A_101 = tpu.memref_squeeze %dma_wait3A_100 : memref<1x104xi32, #tpu.memory_space<vmem>> -> memref<104xi32, #tpu.memory_space<vmem>>
      %dma_wait3A_102 = arith.constant 0 : i32
      %dma_wait3A_103 = arith.constant 0 : i32
      %dma_wait3A_104 = tpu.memref_slice %arg15[%dma_wait3A_102, %dma_wait3A_103] : memref<10112x128xf32, #tpu.memory_space<vmem_shared>> -> memref<10112x128xf32, #tpu.memory_space<vmem_shared>>
      tpu.wait_indirect_dma semaphore(%run_scoped3A_92 : memref<!tpu.dma_semaphore, #tpu.memory_space<semaphore_mem>>) src(%arg12 : memref<104x128xf32, #tpu.memory_space<vmem>>) dst(%dma_wait3A_104 : memref<10112x128xf32, #tpu.memory_space<vmem_shared>>)
      tpu.yield
    }) : () -> ()
    %dma_start3A_71 = arith.constant 0 : i32
    %dma_start3A_72 = arith.constant 0 : i32
    %dma_start3A_73 = tpu.memref_slice %arg11[%dma_start3A_71, %dma_start3A_72] : memref<104x128xf32, #tpu.memory_space<vmem>> -> memref<16x128xf32, #tpu.memory_space<vmem>>
    %dma_start3A_74 = arith.constant 9984 : i32
    %dma_start3A_75 = tpu.memref_slice %arg8[%dma_start3A_74] : memref<10000xi32, #tpu.memory_space<vmem>> -> memref<16xi32, #tpu.memory_space<vmem>>
    %dma_start3A_76 = arith.constant 0 : i32
    %dma_start3A_77 = arith.constant 0 : i32
    %dma_start3A_78 = tpu.memref_slice %arg2[%dma_start3A_76, %dma_start3A_77] : memref<10000x128xf32, #tpu.memory_space<hbm>> -> memref<10000x128xf32, #tpu.memory_space<hbm>>
    tpu.enqueue_indirect_dma source(%dma_start3A_78 : memref<10000x128xf32, #tpu.memory_space<hbm>>) target(%dma_start3A_73 : memref<16x128xf32, #tpu.memory_space<vmem>>) offsets(%dma_start3A_75 : memref<16xi32, #tpu.memory_space<vmem>>) semaphore(%arg13 : memref<!tpu.dma_semaphore, #tpu.memory_space<semaphore_mem>>)
    %dma_wait3A_79 = arith.constant 0 : i32
    %dma_wait3A_80 = arith.constant 0 : i32
    %dma_wait3A_81 = tpu.memref_slice %arg11[%dma_wait3A_79, %dma_wait3A_80] : memref<104x128xf32, #tpu.memory_space<vmem>> -> memref<16x128xf32, #tpu.memory_space<vmem>>
    %dma_wait3A_82 = arith.constant 9984 : i32
    %dma_wait3A_83 = tpu.memref_slice %arg8[%dma_wait3A_82] : memref<10000xi32, #tpu.memory_space<vmem>> -> memref<16xi32, #tpu.memory_space<vmem>>
    %dma_wait3A_84 = arith.constant 0 : i32
    %dma_wait3A_85 = arith.constant 0 : i32
    %dma_wait3A_86 = tpu.memref_slice %arg2[%dma_wait3A_84, %dma_wait3A_85] : memref<10000x128xf32, #tpu.memory_space<hbm>> -> memref<10000x128xf32, #tpu.memory_space<hbm>>
    tpu.wait_indirect_dma semaphore(%arg13 : memref<!tpu.dma_semaphore, #tpu.memory_space<semaphore_mem>>) src(%dma_wait3A_86 : memref<10000x128xf32, #tpu.memory_space<hbm>>) dst(%dma_wait3A_81 : memref<16x128xf32, #tpu.memory_space<vmem>>)
    "tpu.region"() ({
      %run_scoped3A_92 = tpu.sem_alloc : memref<!tpu.dma_semaphore, #tpu.memory_space<semaphore_mem>>
      %dma_start3A_93 = arith.constant 0 : i32
      %dma_start3A_94 = arith.constant 0 : i32
      %dma_start3A_95 = tpu.memref_slice %arg11[%dma_start3A_93, %dma_start3A_94] : memref<104x128xf32, #tpu.memory_space<vmem>> -> memref<16x128xf32, #tpu.memory_space<vmem>>
      %dma_start3A_96 = arith.constant 0 : i32
      %dma_start3A_97 = arith.constant 0 : i32
      %dma_start3A_98 = tpu.memref_slice %arg15[%dma_start3A_96, %dma_start3A_97] : memref<10112x128xf32, #tpu.memory_space<vmem_shared>> -> memref<10112x128xf32, #tpu.memory_space<vmem_shared>>
      tpu.enqueue_indirect_dma source(%dma_start3A_95 : memref<16x128xf32, #tpu.memory_space<vmem>>) target(%dma_start3A_98 : memref<10112x128xf32, #tpu.memory_space<vmem_shared>>) offsets(%arg10 : memref<16xi32, #tpu.memory_space<vmem>>) semaphore(%run_scoped3A_92 : memref<!tpu.dma_semaphore, #tpu.memory_space<semaphore_mem>>) {add = true}
      %dma_wait3A_99 = arith.constant 0 : i32
      %dma_wait3A_100 = arith.constant 0 : i32
      %dma_wait3A_101 = tpu.memref_slice %arg11[%dma_wait3A_99, %dma_wait3A_100] : memref<104x128xf32, #tpu.memory_space<vmem>> -> memref<16x128xf32, #tpu.memory_space<vmem>>
      %dma_wait3A_102 = arith.constant 0 : i32
      %dma_wait3A_103 = arith.constant 0 : i32
      %dma_wait3A_104 = tpu.memref_slice %arg15[%dma_wait3A_102, %dma_wait3A_103] : memref<10112x128xf32, #tpu.memory_space<vmem_shared>> -> memref<10112x128xf32, #tpu.memory_space<vmem_shared>>
      tpu.wait_indirect_dma semaphore(%run_scoped3A_92 : memref<!tpu.dma_semaphore, #tpu.memory_space<semaphore_mem>>) src(%dma_wait3A_101 : memref<16x128xf32, #tpu.memory_space<vmem>>) dst(%dma_wait3A_104 : memref<10112x128xf32, #tpu.memory_space<vmem_shared>>)
      tpu.yield
    }) : () -> ()
    %barrier3A_87 = arith.constant 0 : index
    tpu.barrier barrier_id(%barrier3A_87)
    %mul3A_88 = arith.constant 632 : i32
    %mul3A_89 = arith.muli %arg1, %mul3A_88 : i32
    %mul3A_90 = arith.constant 632 : i32
    %mul3A_91 = arith.muli %arg1, %mul3A_90 : i32
    "tpu.region"() ({
      %run_scoped3A_92 = tpu.sem_alloc : memref<!tpu.dma_semaphore, #tpu.memory_space<semaphore_mem>>
      %dma_start3A_93 = arith.constant 0 : i32
      %dma_start3A_94 = tpu.memref_slice %arg7[%arg0, %mul3A_91, %dma_start3A_93] : memref<2x10112x128xf32, #tpu.memory_space<hbm>> -> memref<1x632x128xf32, #tpu.memory_space<hbm>>
      %dma_start3A_95 = tpu.memref_squeeze %dma_start3A_94 : memref<1x632x128xf32, #tpu.memory_space<hbm>> -> memref<632x128xf32, #tpu.memory_space<hbm>>
      %dma_start3A_96 = arith.constant 0 : i32
      %dma_start3A_97 = tpu.memref_slice %arg15[%mul3A_89, %dma_start3A_96] : memref<10112x128xf32, #tpu.memory_space<vmem_shared>> -> memref<632x128xf32, #tpu.memory_space<vmem_shared>>
      tpu.enqueue_dma source(%dma_start3A_97 : memref<632x128xf32, #tpu.memory_space<vmem_shared>>) target(%dma_start3A_95 : memref<632x128xf32, #tpu.memory_space<hbm>>) target_semaphore(%run_scoped3A_92 : memref<!tpu.dma_semaphore, #tpu.memory_space<semaphore_mem>>)
      %dma_wait3A_98 = arith.constant 0 : i32
      %dma_wait3A_99 = tpu.memref_slice %arg7[%arg0, %mul3A_91, %dma_wait3A_98] : memref<2x10112x128xf32, #tpu.memory_space<hbm>> -> memref<1x632x128xf32, #tpu.memory_space<hbm>>
      %dma_wait3A_100 = tpu.memref_squeeze %dma_wait3A_99 : memref<1x632x128xf32, #tpu.memory_space<hbm>> -> memref<632x128xf32, #tpu.memory_space<hbm>>
      %dma_wait3A_101 = arith.constant 0 : i32
      %dma_wait3A_102 = tpu.memref_slice %arg15[%mul3A_89, %dma_wait3A_101] : memref<10112x128xf32, #tpu.memory_space<vmem_shared>> -> memref<632x128xf32, #tpu.memory_space<vmem_shared>>
      tpu.wait_dma2 semaphore(%run_scoped3A_92 : memref<!tpu.dma_semaphore, #tpu.memory_space<semaphore_mem>>) src(%dma_wait3A_102 : memref<632x128xf32, #tpu.memory_space<vmem_shared>>) dst(%dma_wait3A_100 : memref<632x128xf32, #tpu.memory_space<hbm>>)
      tpu.yield
    }) : () -> ()
    return
  }
}

module attributes {stable_mosaic.version = 14 : i64} {
  func.func @_tc1_body(%arg0: memref<10000x128xf32, #tpu.memory_space<vmem>>, %arg1: memref<128x128xf32, #tpu.memory_space<vmem>>, %arg2: memref<32x10112xf32, #tpu.memory_space<vmem>>, %arg3: memref<10000x128xf32, #tpu.memory_space<vmem>>, %arg4: memref<10112x1xf32, #tpu.memory_space<vmem>>) attributes {dimension_semantics = [], scalar_prefetch = 0 : i64, scratch_operands = 0 : i64, tpu.core_type = #tpu.core_type<tc>} {
    %get3A = arith.constant 0 : index
    %get3A_0 = arith.constant 0 : index
    %get3A_1 = vector.load %arg2[%get3A, %get3A_0] : memref<32x10112xf32, #tpu.memory_space<vmem>>, vector<32x10112xf32>
    %broadcast_in_dim3A = arith.constant 1.000000e+00 : f32
    %broadcast_in_dim3A_2 = vector.broadcast %broadcast_in_dim3A : f32 to vector<32x1xf32>
    %dot_general3A = arith.constant dense<0.000000e+00> : vector<10112x1xf32>
    %dot_general3A_3 = tpu.matmul %get3A_1, %broadcast_in_dim3A_2, %dot_general3A {dimension_numbers = #tpu.dot_dimension_numbers<[0], [0], [1], [1], [0, 1, 1, 1], [], []>, transpose_lhs_hint = false} : vector<32x10112xf32>, vector<32x1xf32>, vector<10112x1xf32> -> vector<10112x1xf32>
    %add3A = arith.constant 1.000000e+00 : f32
    %add3A_4 = vector.broadcast %add3A : f32 to vector<10112x1xf32>
    %add3A_5 = arith.addf %dot_general3A_3, %add3A_4 : vector<10112x1xf32>
    %rsqrt3A = math.rsqrt %add3A_5 : vector<10112x1xf32>
    %get3A_6 = arith.constant 0 : index
    %get3A_7 = arith.constant 0 : index
    %get3A_8 = vector.load %arg0[%get3A_6, %get3A_7] : memref<10000x128xf32, #tpu.memory_space<vmem>>, vector<10000x128xf32>
    %get3A_9 = arith.constant 0 : index
    %get3A_10 = arith.constant 0 : index
    %get3A_11 = vector.load %arg1[%get3A_9, %get3A_10] : memref<128x128xf32, #tpu.memory_space<vmem>>, vector<128x128xf32>
    %dot_general3A_12 = arith.constant dense<0.000000e+00> : vector<10000x128xf32>
    %dot_general3A_13 = tpu.matmul %get3A_8, %get3A_11, %dot_general3A_12 {dimension_numbers = #tpu.dot_dimension_numbers<[1], [0], [0], [1], [0, 0, 1, 1], [], []>, transpose_lhs_hint = false} : vector<10000x128xf32>, vector<128x128xf32>, vector<10000x128xf32> -> vector<10000x128xf32>
    %slice3A = vector.extract_strided_slice %rsqrt3A {offsets = [0, 0], sizes = [10000, 1], strides = [1, 1]} : vector<10112x1xf32> to vector<10000x1xf32>
    %mul3A = vector.broadcast %slice3A : vector<10000x1xf32> to vector<10000x128xf32>
    %mul3A_14 = arith.mulf %dot_general3A_13, %mul3A : vector<10000x128xf32>
    %swap3A = arith.constant 0 : index
    %swap3A_15 = arith.constant 0 : index
    %swap3A_16 = vector.load %arg3[%swap3A, %swap3A_15] : memref<10000x128xf32, #tpu.memory_space<vmem>>, vector<10000x128xf32>
    tpu.vector_store %arg3[%swap3A, %swap3A_15], %mul3A_14 {strides = array<i32>} : memref<10000x128xf32, #tpu.memory_space<vmem>>, vector<10000x128xf32>,
    %swap3A_17 = arith.constant 0 : index
    %swap3A_18 = arith.constant 0 : index
    %swap3A_19 = vector.load %arg4[%swap3A_17, %swap3A_18] : memref<10112x1xf32, #tpu.memory_space<vmem>>, vector<10112x1xf32>
    tpu.vector_store %arg4[%swap3A_17, %swap3A_18], %rsqrt3A {strides = array<i32>} : memref<10112x1xf32, #tpu.memory_space<vmem>>, vector<10112x1xf32>,
    return
  }
}

module attributes {stable_mosaic.version = 14 : i64} {
  func.func @_tc2_body(%arg0: memref<2x10112x128xf32, #tpu.memory_space<vmem>>, %arg1: memref<10000x128xf32, #tpu.memory_space<vmem>>, %arg2: memref<10112x1xf32, #tpu.memory_space<vmem>>, %arg3: memref<128x128xf32, #tpu.memory_space<vmem>>, %arg4: memref<1x128xf32, #tpu.memory_space<vmem>>, %arg5: memref<1x128xf32, #tpu.memory_space<vmem>>, %arg6: memref<1x128xf32, #tpu.memory_space<vmem>>, %arg7: memref<10000x128xf32, #tpu.memory_space<vmem>>) attributes {dimension_semantics = [], scalar_prefetch = 0 : i64, scratch_operands = 0 : i64, tpu.core_type = #tpu.core_type<tc>} {
    %get3A = arith.constant 0 : index
    %get3A_0 = arith.constant 0 : index
    %get3A_1 = vector.load %arg2[%get3A, %get3A_0] : memref<10112x1xf32, #tpu.memory_space<vmem>>, vector<10112x1xf32>
    %slice3A = vector.extract_strided_slice %get3A_1 {offsets = [0, 0], sizes = [10000, 1], strides = [1, 1]} : vector<10112x1xf32> to vector<10000x1xf32>
    %get3A_2 = arith.constant 0 : index
    %get3A_3 = arith.constant 0 : index
    %get3A_4 = arith.constant 0 : index
    %get3A_5 = vector.load %arg0[%get3A_2, %get3A_3, %get3A_4] : memref<2x10112x128xf32, #tpu.memory_space<vmem>>, vector<1x10112x128xf32>
    %get3A_6 = vector.shape_cast %get3A_5 : vector<1x10112x128xf32> to vector<10112x128xf32>
    %get3A_7 = arith.constant 1 : index
    %get3A_8 = arith.constant 0 : index
    %get3A_9 = arith.constant 0 : index
    %get3A_10 = vector.load %arg0[%get3A_7, %get3A_8, %get3A_9] : memref<2x10112x128xf32, #tpu.memory_space<vmem>>, vector<1x10112x128xf32>
    %get3A_11 = vector.shape_cast %get3A_10 : vector<1x10112x128xf32> to vector<10112x128xf32>
    %add3A = arith.addf %get3A_6, %get3A_11 : vector<10112x128xf32>
    %slice3A_12 = vector.extract_strided_slice %add3A {offsets = [0, 0], sizes = [10000, 128], strides = [1, 1]} : vector<10112x128xf32> to vector<10000x128xf32>
    %get3A_13 = arith.constant 0 : index
    %get3A_14 = arith.constant 0 : index
    %get3A_15 = vector.load %arg1[%get3A_13, %get3A_14] : memref<10000x128xf32, #tpu.memory_space<vmem>>, vector<10000x128xf32>
    %add3A_16 = arith.addf %slice3A_12, %get3A_15 : vector<10000x128xf32>
    %mul3A = vector.broadcast %slice3A : vector<10000x1xf32> to vector<10000x128xf32>
    %mul3A_17 = arith.mulf %add3A_16, %mul3A : vector<10000x128xf32>
    %get3A_18 = arith.constant 0 : index
    %get3A_19 = arith.constant 0 : index
    %get3A_20 = vector.load %arg4[%get3A_18, %get3A_19] : memref<1x128xf32, #tpu.memory_space<vmem>>, vector<1x128xf32>
    %add3A_21 = vector.broadcast %get3A_20 : vector<1x128xf32> to vector<10000x128xf32>
    %add3A_22 = arith.addf %mul3A_17, %add3A_21 : vector<10000x128xf32>
    %reduce_sum3A = arith.constant dense<0.000000e+00> : vector<128xf32>
    %reduce_sum3A_23 = vector.multi_reduction <add>, %add3A_22, %reduce_sum3A [0] : vector<10000x128xf32> to vector<128xf32>
    %broadcast_in_dim3A = vector.shape_cast %reduce_sum3A_23 : vector<128xf32> to vector<1x128xf32>
    %div3A = arith.constant 1.000000e+04 : f32
    %div3A_24 = vector.broadcast %div3A : f32 to vector<1x128xf32>
    %div3A_25 = arith.divf %broadcast_in_dim3A, %div3A_24 : vector<1x128xf32>
    %sub3A = vector.broadcast %div3A_25 : vector<1x128xf32> to vector<10000x128xf32>
    %sub3A_26 = arith.subf %add3A_22, %sub3A : vector<10000x128xf32>
    %sub3A_27 = vector.broadcast %div3A_25 : vector<1x128xf32> to vector<10000x128xf32>
    %sub3A_28 = arith.subf %add3A_22, %sub3A_27 : vector<10000x128xf32>
    %mul3A_29 = arith.mulf %sub3A_26, %sub3A_28 : vector<10000x128xf32>
    %reduce_sum3A_30 = arith.constant dense<0.000000e+00> : vector<128xf32>
    %reduce_sum3A_31 = vector.multi_reduction <add>, %mul3A_29, %reduce_sum3A_30 [0] : vector<10000x128xf32> to vector<128xf32>
    %broadcast_in_dim3A_32 = vector.shape_cast %reduce_sum3A_31 : vector<128xf32> to vector<1x128xf32>
    %div3A_33 = arith.constant 1.000000e+04 : f32
    %div3A_34 = vector.broadcast %div3A_33 : f32 to vector<1x128xf32>
    %div3A_35 = arith.divf %broadcast_in_dim3A_32, %div3A_34 : vector<1x128xf32>
    %sub3A_36 = vector.broadcast %div3A_25 : vector<1x128xf32> to vector<10000x128xf32>
    %sub3A_37 = arith.subf %add3A_22, %sub3A_36 : vector<10000x128xf32>
    %add3A_38 = arith.constant 9.99999974E-6 : f32
    %add3A_39 = vector.broadcast %add3A_38 : f32 to vector<1x128xf32>
    %add3A_40 = arith.addf %div3A_35, %add3A_39 : vector<1x128xf32>
    %rsqrt3A = math.rsqrt %add3A_40 : vector<1x128xf32>
    %mul3A_41 = vector.broadcast %rsqrt3A : vector<1x128xf32> to vector<10000x128xf32>
    %mul3A_42 = arith.mulf %sub3A_37, %mul3A_41 : vector<10000x128xf32>
    %get3A_43 = arith.constant 0 : index
    %get3A_44 = arith.constant 0 : index
    %get3A_45 = vector.load %arg5[%get3A_43, %get3A_44] : memref<1x128xf32, #tpu.memory_space<vmem>>, vector<1x128xf32>
    %mul3A_46 = vector.broadcast %get3A_45 : vector<1x128xf32> to vector<10000x128xf32>
    %mul3A_47 = arith.mulf %mul3A_42, %mul3A_46 : vector<10000x128xf32>
    %get3A_48 = arith.constant 0 : index
    %get3A_49 = arith.constant 0 : index
    %get3A_50 = vector.load %arg6[%get3A_48, %get3A_49] : memref<1x128xf32, #tpu.memory_space<vmem>>, vector<1x128xf32>
    %add3A_51 = vector.broadcast %get3A_50 : vector<1x128xf32> to vector<10000x128xf32>
    %add3A_52 = arith.addf %mul3A_47, %add3A_51 : vector<10000x128xf32>
    %max3A = arith.constant 0.000000e+00 : f32
    %max3A_53 = vector.broadcast %max3A : f32 to vector<10000x128xf32>
    %max3A_54 = arith.maximumf %add3A_52, %max3A_53 : vector<10000x128xf32>
    %get3A_55 = arith.constant 0 : index
    %get3A_56 = arith.constant 0 : index
    %get3A_57 = vector.load %arg3[%get3A_55, %get3A_56] : memref<128x128xf32, #tpu.memory_space<vmem>>, vector<128x128xf32>
    %dot_general3A = arith.constant dense<0.000000e+00> : vector<10000x128xf32>
    %dot_general3A_58 = tpu.matmul %max3A_54, %get3A_57, %dot_general3A {dimension_numbers = #tpu.dot_dimension_numbers<[1], [0], [0], [1], [0, 0, 1, 1], [], []>, transpose_lhs_hint = false} : vector<10000x128xf32>, vector<128x128xf32>, vector<10000x128xf32> -> vector<10000x128xf32>
    %mul3A_59 = vector.broadcast %slice3A : vector<10000x1xf32> to vector<10000x128xf32>
    %mul3A_60 = arith.mulf %dot_general3A_58, %mul3A_59 : vector<10000x128xf32>
    %swap3A = arith.constant 0 : index
    %swap3A_61 = arith.constant 0 : index
    %swap3A_62 = vector.load %arg7[%swap3A, %swap3A_61] : memref<10000x128xf32, #tpu.memory_space<vmem>>, vector<10000x128xf32>
    tpu.vector_store %arg7[%swap3A, %swap3A_61], %mul3A_60 {strides = array<i32>} : memref<10000x128xf32, #tpu.memory_space<vmem>>, vector<10000x128xf32>,
    return
  }
}

module attributes {stable_mosaic.version = 14 : i64} {
  func.func @_tc3_body(%arg0: memref<2x10112x128xf32, #tpu.memory_space<vmem>>, %arg1: memref<10000x128xf32, #tpu.memory_space<vmem>>, %arg2: memref<10112x1xf32, #tpu.memory_space<vmem>>, %arg3: memref<1x128xf32, #tpu.memory_space<vmem>>, %arg4: memref<10000x128xf32, #tpu.memory_space<vmem>>) attributes {dimension_semantics = [], scalar_prefetch = 0 : i64, scratch_operands = 0 : i64, tpu.core_type = #tpu.core_type<tc>} {
    %get3A = arith.constant 0 : index
    %get3A_0 = arith.constant 0 : index
    %get3A_1 = vector.load %arg2[%get3A, %get3A_0] : memref<10112x1xf32, #tpu.memory_space<vmem>>, vector<10112x1xf32>
    %slice3A = vector.extract_strided_slice %get3A_1 {offsets = [0, 0], sizes = [10000, 1], strides = [1, 1]} : vector<10112x1xf32> to vector<10000x1xf32>
    %get3A_2 = arith.constant 0 : index
    %get3A_3 = arith.constant 0 : index
    %get3A_4 = arith.constant 0 : index
    %get3A_5 = vector.load %arg0[%get3A_2, %get3A_3, %get3A_4] : memref<2x10112x128xf32, #tpu.memory_space<vmem>>, vector<1x10112x128xf32>
    %get3A_6 = vector.shape_cast %get3A_5 : vector<1x10112x128xf32> to vector<10112x128xf32>
    %get3A_7 = arith.constant 1 : index
    %get3A_8 = arith.constant 0 : index
    %get3A_9 = arith.constant 0 : index
    %get3A_10 = vector.load %arg0[%get3A_7, %get3A_8, %get3A_9] : memref<2x10112x128xf32, #tpu.memory_space<vmem>>, vector<1x10112x128xf32>
    %get3A_11 = vector.shape_cast %get3A_10 : vector<1x10112x128xf32> to vector<10112x128xf32>
    %add3A = arith.addf %get3A_6, %get3A_11 : vector<10112x128xf32>
    %slice3A_12 = vector.extract_strided_slice %add3A {offsets = [0, 0], sizes = [10000, 128], strides = [1, 1]} : vector<10112x128xf32> to vector<10000x128xf32>
    %get3A_13 = arith.constant 0 : index
    %get3A_14 = arith.constant 0 : index
    %get3A_15 = vector.load %arg1[%get3A_13, %get3A_14] : memref<10000x128xf32, #tpu.memory_space<vmem>>, vector<10000x128xf32>
    %add3A_16 = arith.addf %slice3A_12, %get3A_15 : vector<10000x128xf32>
    %mul3A = vector.broadcast %slice3A : vector<10000x1xf32> to vector<10000x128xf32>
    %mul3A_17 = arith.mulf %add3A_16, %mul3A : vector<10000x128xf32>
    %get3A_18 = arith.constant 0 : index
    %get3A_19 = arith.constant 0 : index
    %get3A_20 = vector.load %arg3[%get3A_18, %get3A_19] : memref<1x128xf32, #tpu.memory_space<vmem>>, vector<1x128xf32>
    %add3A_21 = vector.broadcast %get3A_20 : vector<1x128xf32> to vector<10000x128xf32>
    %add3A_22 = arith.addf %mul3A_17, %add3A_21 : vector<10000x128xf32>
    %swap3A = arith.constant 0 : index
    %swap3A_23 = arith.constant 0 : index
    %swap3A_24 = vector.load %arg4[%swap3A, %swap3A_23] : memref<10000x128xf32, #tpu.memory_space<vmem>>, vector<10000x128xf32>
    tpu.vector_store %arg4[%swap3A, %swap3A_23], %add3A_22 {strides = array<i32>} : memref<10000x128xf32, #tpu.memory_space<vmem>>, vector<10000x128xf32>,
    return
  }
}

</mosaic_0001>

<sc_bundles>
// kernel: kernel.11.cloned.1.call-start
scs
__scs_entry_jumppad:
0x0: {  	(pc) =	sbr.rel $0x88, $3  }
0x1: {  	(tag) =	ssettag $0x0;
	lr =	simm.s32 $0x1  }
0x2: {  	[smem:$0x3F99] =	sst lr;
	_ =	strace $0xD0000000  }
0x3: {  	_ = 	snop  }
0x4: {  	_ = 	snop  }
0x5: {  	_ = 	snop  }
0x6: {  	_ = 	snop  }
0x7: {  	_ = 	snop  }
__scs_overlays_trampoline_lowered:
0x8: {  	[smem:$0x3FA8] =	sst s0  }
0x9: {  	[smem:$0x3FA9] =	sst s1  }
0xa: {  	[smem:$0x3FAA] =	sst s2  }
0xb: {  	[smem:$0x3FAB] =	sst s3  }
0xc: {  	[smem:$0x3FAC] =	sst s4  }
0xd: {  	[smem:$0x3FAD] =	sst s5  }
0xe: {  	[smem:$0x3FAE] =	sst s6  }
0xf: {  	[smem:$0x3FAF] =	sst s7  }
0x10: {  	[smem:$0x3FB0] =	sst s8  }
0x11: {  	[smem:$0x3FB1] =	sst s9;
	s0 =	simm.s32 @!p0 $0x0  }
0x12: {  	s1 =	sld [smem:$0x3F97];
	s0 =	simm.s32 @p0 $0x1  }
0x13: {  	[smem:$0x3FB2] =	sst s0;
	s0 =	simm.s32 @!p1 $0x0  }
0x14: {  	s2 =	sld [smem:$0x3F96];
	s0 =	simm.s32 @p1 $0x1  }
0x15: {  	[smem:$0x3FB3] =	sst s0;
	s0 =	simm.s32 @!p2 $0x0  }
0x16: {  	s3 =	sld [smem:$0x3FDB];
	s0 =	simm.s32 @p2 $0x1  }
0x17: {  	s4 =	simm.s32 $0x1BF5;
	[smem:$0x3FB5] =	sst s0  }
0x18: {  	s0 =	sld [smem:$0x3F98];
	_ =	swait.ge [sflag:s4], $0x0  }
0x19: {  	s7 =	sld [smem:$0x3F99]  }
0x1a: {  	s8 =	sadd.s32 $0xFFFFE003, lr  }
0x1b: {  	s9 =	sadd.s32 $0xFFFFFEF7, lr;
	s5 =	simm.s32 $0xFFFFFFFF;
	p2 =	slt.u32 s8, $0xFFFFF086  }
0x1c: {  	p1 =	slt.u32 s9, $0xF7A;
	s5 =	simm.s32 @!p2 $0x0  }
0x1d: {  	s5 =	simm.s32 @p1 $0x1;
	p0 =	seq.s32 s7, s2  }
0x1e: {  	s7 =	smul.u32 @!p0 $0xF7A, s2;
	p2 =	seq.s32 @!p0 s5, $0x0  }
0x1f: {  	s9 =	smul.u32 $0xF7A, s1;
	s8 =	simm.s32 @!p0 $0x1BF5;
	p2 =	por !p2, p0  }
0x20: {  	[sflag:s8] =	ssyncset.s32 @!p0 $0xFFFFF086;
	s6 =	sadd.s32 @!p0 s3, s7;
	s7 =	simm.s32 @!p0 $0x108  }
0x21: {  	s3 =	sadd.s32 s3, s9;
	s6 =	sadd.s32 @!p0 $0x88, s6;
	s7 =	simm.s32 @p2 $0x1082  }
0x22: {  	[simem:s7], [sflag:s8] =	dma.local @!p0 [hbm:s6], $0xF7A  }
0x23: {  	s9 =	sor.u32 $0xD0000000, s2;
	s6 =	simm.s32 $0x108;
	_ =	swait.ge @!p0 [sflag:s8], $0x0  }
0x24: {  	s3 =	sadd.s32 $0x88, s3;
	s6 =	simm.s32 @!p1 $0x1082;
	[sflag:s4] =	ssyncset.s32 $0xFFFFF086  }
0x25: {  	[simem:s6], [sflag:s4] =	dma.local [hbm:s3], $0xF7A  }
0x26: {  	[smem:$0x3F99] =	sst s1;
	(tag) =	ssettag s2;
	_ =	strace s9  }
0x27: {  	s1 =	sld [smem:$0x3FA9]  }
0x28: {  	s2 =	sld [smem:$0x3FAA]  }
0x29: {  	s4 =	sld [smem:$0x3FAC]  }
0x2a: {  	p0 =	seq.s32 s5, $0x0;
	s5 =	sld [smem:$0x3FAD]  }
0x2b: {  	s6 =	sld [smem:$0x3FAE]  }
0x2c: {  	s7 =	sld [smem:$0x3FAF]  }
0x2d: {  	s3 =	simm.s32 $0x108;
	s8 =	sld [smem:$0x3FB0]  }
0x2e: {  	s3 =	simm.s32 @!p0 $0x1082;
	s9 =	sld [smem:$0x3FB1]  }
0x2f: {  	lr =	sadd.s32 s0, s3;
	s0 =	sld [smem:$0x3FA8]  }
0x30: {  	s3 =	sld [smem:$0x3FAB]  }
0x31: {  	[smem:$0x3FB4] =	sst s10  }
0x32: {  	s10 =	sld [smem:$0x3FB2];
	_ =	sdelay $0x3  }
0x33: {  	p0 =	seq.s32 s10, $0x1;
	s10 =	sld [smem:$0x3FB4];
	_ =	sdelay $0x3  }
0x34: {  	[smem:$0x3FB4] =	sst s10  }
0x35: {  	s10 =	sld [smem:$0x3FB3];
	_ =	sdelay $0x3  }
0x36: {  	p1 =	seq.s32 s10, $0x1;
	s10 =	sld [smem:$0x3FB4];
	_ =	sdelay $0x3  }
0x37: {  	[smem:$0x3FB4] =	sst s10  }
0x38: {  	s10 =	sld [smem:$0x3FB5]  }
0x39: {  	_ = 	snop;
	(pc) =	sbr.ind lr, $3  }
0x3a: {  	_ = 	snop  }
0x3b: {  	_ = 	snop  }
0x3c: {  	p2 =	seq.s32 s10, $0x1;
	s10 =	sld [smem:$0x3FB4]  }
0x3d: {  	_ =	shalt  }
0x3e: {  	_ =	shalt  }
0x3f: {  	_ =	shalt  }
0x40: {  	_ =	shalt  }
0x41: {  	_ =	shalt  }
0x42: {  	_ =	shalt  }
0x43: {  	_ =	shalt  }
0x44: {  	_ =	shalt  }
0x45: {  	_ =	shalt  }
0x46: {  	_ =	shalt  }
0x47: {  	_ =	shalt  }
0x48: {  	_ =	shalt  }
0x49: {  	_ =	shalt  }
0x4a: {  	_ =	shalt  }
0x4b: {  	_ =	shalt  }
0x4c: {  	_ =	shalt  }
0x4d: {  	_ =	shalt  }
0x4e: {  	_ =	shalt  }
0x4f: {  	_ =	shalt  }
0x50: {  	_ =	shalt  }
0x51: {  	_ =	shalt  }
0x52: {  	_ =	shalt  }
0x53: {  	_ =	shalt  }
0x54: {  	_ =	shalt  }
0x55: {  	_ =	shalt  }
0x56: {  	_ =	shalt  }
0x57: {  	_ =	shalt  }
0x58: {  	_ =	shalt  }
0x59: {  	_ =	shalt  }
0x5a: {  	_ =	shalt  }
0x5b: {  	_ =	shalt  }
0x5c: {  	_ =	shalt  }
0x5d: {  	_ =	shalt  }
0x5e: {  	_ =	shalt  }
0x5f: {  	_ =	shalt  }
0x60: {  	_ =	shalt  }
0x61: {  	_ =	shalt  }
0x62: {  	_ =	shalt  }
0x63: {  	_ =	shalt  }
0x64: {  	_ =	shalt  }
0x65: {  	_ =	shalt  }
0x66: {  	_ =	shalt  }
0x67: {  	_ =	shalt  }
0x68: {  	_ =	shalt  }
0x69: {  	_ =	shalt  }
0x6a: {  	_ =	shalt  }
0x6b: {  	_ =	shalt  }
0x6c: {  	_ =	shalt  }
0x6d: {  	_ =	shalt  }
0x6e: {  	_ =	shalt  }
0x6f: {  	_ =	shalt  }
0x70: {  	_ =	shalt  }
0x71: {  	_ =	shalt  }
0x72: {  	_ =	shalt  }
0x73: {  	_ =	shalt  }
0x74: {  	_ =	shalt  }
0x75: {  	_ =	shalt  }
0x76: {  	_ =	shalt  }
0x77: {  	_ =	shalt  }
0x78: {  	_ =	shalt  }
0x79: {  	_ =	shalt  }
0x7a: {  	_ =	shalt  }
0x7b: {  	_ =	shalt  }
0x7c: {  	_ =	shalt  }
0x7d: {  	_ =	shalt  }
0x7e: {  	_ =	shalt  }
0x7f: {  	_ =	shalt  }
0x80: {  	_ =	shalt  }
0x81: {  	_ =	shalt  }
0x82: {  	_ =	shalt  }
0x83: {  	_ =	shalt  }
0x84: {  	_ =	shalt  }
0x85: {  	_ =	shalt  }
0x86: {  	_ =	shalt  }
0x87: {  	_ =	shalt  }
.Lfunc_end0:
.L_simem_size_0:
called_computation.1_lowered:
.L_overlay_start_0:
0x88: {  	s2 =	sld [smem:$0x3FD9]  }
0x89: {  	s3 =	sld [smem:$0x3FFE];
	_ =	sdelay $0x1  }
0x8a: {  	s1 =	srdreg.scid  }
0x8b: {  	s0 =	sand.u32 $0x1, s1  }
0x8c: {  	s17 =	sshll.u32 s0, $0xA;
	s2 =	sadd.s32 s3, s2  }
0x8d: {  	s2 =	sadd.s32 s2, s17  }
0x8e: {  	[smem:$0x3FC0] =	sst s2  }
0x8f: {  	_ = 	snop  }
0x90: {  	s2 =	sld [smem:$0x3FD0];
	(tm) =	ssettm $0x1  }
0x91: {  	s18 =	sld [smem:$0x3FFB];
	_ =	sdelay $0x3  }
0x92: {  	_ =	strace s18  }
0x93: {  	s3 =	sld [smem:$0x3FFC];
	_ =	sdelay $0x3  }
0x94: {  	_ =	strace s3  }
0x95: {  	s3 =	sld [smem:$0x3FFD];
	_ =	sdelay $0x3  }
0x96: {  	_ =	strace s3  }
0x97: {  	_ =	strace $0x8FFFFFFF  }
0x98: {  	s19 =	sld [smem:$0x3FDB];
	_ =	sdelay $0x1  }
0x99: {  	s4 =	simm.s32 $_scs_section_size  }
0x9a: {  	s5 =	simm.s32 $_size__tile_overlayer_lowered;
	s6 =	simm.s32 $_tile_overlayer_lowered  }
0x9b: {  	s22 =	simm.s32 $0x1BFF;
	s21 =	sshll.u32 s6, $0x1;
	s3 =	sadd.s32 s4, s19  }
0x9c: {  	s7 =	simm.s32 $0x0;
	s20 =	sshll.u32 s5, $0x1;
	s5 =	sadd.s32 s21, s3  }
0x9d: {  	[timem:s7], [sflag:s22] =	dma.local [hbm:s5], s20  }
0x9e: {  	_ =	swait.ge [sflag:s22], s20  }
0x9f: {  	s4 =	ssub.s32 $0x0, s20;
	[sflag:s22] =	ssyncset.done $0x0  }
0xa0: {  	[sflag:s22] =	ssyncadd.s32 s4;
	_ =	sdelay $0x1  }
0xa1: {  	s23 =	simm.s32 $0x1B8B  }
0xa2: {  	_ =	swait.ge [sflag:s23], $0x1  }
0xa3: {  	[sflag:s23] =	ssyncset.done $0x0  }
0xa4: {  	s25 =	simm.s32 $0x1B8E;
	s24 =	sld [smem:$0x3FFE];
	[sflag:s23] =	ssyncadd.s32 $0xFFFFFFFF  }
0xa5: {  	s26 =	simm.s32 $execute0_lowered;
	[smem:$0x3FD2] =	sst s25  }
0xa6: {  	s5 =	sshll.u32 s26, $0x1;
	_ =	strace $0x80000049;
	[dreg:$0x1] =	wrdreg $0xFFFFFFFF  }
0xa7: {  	s28 =	simm.s32 $_size_execute0_lowered;
	s3 =	sadd.s32 s3, s5;
	[dreg:$0x0] =	wrdreg $0x0  }
0xa8: {  	s5 =	sshll.u32 s28, $0x1;
	[dreg:$0x2] =	wrdreg s3  }
0xa9: {  	[dreg:$0x3] =	wrdreg s5  }
0xaa: {  	[dreg:$0x4] =	wrdreg $0xC0  }
0xab: {  	_ =	task [dreg:s7], $0x5FFFF  }
0xac: {  	[dreg:$0x1] =	wrdreg $0xFFFFFFFF  }
0xad: {  	[dreg:$0x0] =	wrdreg $0x60  }
0xae: {  	[dreg:$0x2] =	wrdreg s2  }
0xaf: {  	[dreg:$0x3] =	wrdreg s24  }
0xb0: {  	[dreg:$0x4] =	wrdreg $0xC0000  }
0xb1: {  	[dreg:$0x5] =	wrdreg $0x9  }
0xb2: {  	_ =	task.clear_ibuf [dreg:s7], $0x6FFFF;
	_ =	strace $0x90000049  }
0xb3: {  	s29 =	simm.s32 $0x9;
	_ =	strace $0x8000004B  }
0xb4: {  	_ =	swait.ge [sflag:s29], $0x1  }
0xb5: {  	[sflag:s29] =	ssyncadd.s32 $0xFFFFFFFF  }
0xb6: {  	_ =	strace $0x9000004B  }
0xb7: {  	_ =	sfence  }
0xb8: {  	s30 =	sld [smem:$0x0];
	_ =	sdelay $0x2  }
0xb9: {  	s31 =	sshll.u32 s1, $0xD;
	s1 =	sshrl.u32 s1, $0x2  }
0xba: {  	s3 =	sand.u32 $0x4000, s31;
	s1 =	sadd.s32 s1, s30  }
0xbb: {  	s0 =	sor.u32 s3, s0;
	s1 =	sshll.u32 s1, $0x11  }
0xbc: {  	s0 =	sor.u32 s1, s0  }
0xbd: {  	s0 =	sadd.s32 $0x8F2B, s0  }
0xbe: {  	[sflag:s0] =	ssyncadd.remote.s32 $0x1  }
0xbf: {  	_ =	sfence.sel $0xFFFF  }
0xc0: {  	[dreg:$0x0] =	wrdreg $0xFFFFFFFF;
	(pc) =	sbr.abs _section_cstart, $3  }
0xc1: {  	[dreg:$0x1] =	wrdreg $0xFFFFFFFF  }
0xc2: {  	_ =	task.clear_ibuf [dreg:s7], $0x2FFFF;
	_ =	strace $0x9FFFFFFF  }
0xc3: {  	(tm) =	ssettm $0x7FFFFFFF  }
tec
execute0_lowered:
.L_overlay_start_1:
0x0: {  	(tag) =	ssettag $0x1  }
0x1: {  	s1 =	rddreg [dreg:$0x0]  }
0x2: {  	s0 =	rddreg [dreg:$0x1]  }
0x3: {  	s2 =	srdreg.scid;
	s12 =	stileid.u32  }
0x4: {  	s3 =	rddreg [dreg:$0x2];
	s16 =	simm.s32 $0x2780;
	s17 =	simm.s32 $0x5780  }
0x5: {  	s18 =	simm.s32 $0x1;
	s19 =	simm.s32 $0x2;
	s20 =	simm.s32 $0x68  }
0x6: {  	s21 =	simm.s32 $0x5800;
	s22 =	simm.s32 $0x8C00;
	s28 =	simm.s32 $0x10  }
0x7: {  	s29 =	simm.s32 $0x2700;
	s2 =	sand.u32 $0x1, s2;
	s23 =	smul.u32 $0x13C00, s12  }
0x8: {  	s4 =	sshll.u32 s12, $0x1;
	s6 =	sshrl.u32 s12, $0x2;
	s26 =	smul.u32 $0x4F000, s12  }
0x9: {  	s30 =	simm.s32 $0x0;
	s5 =	sor.u32 s2, s4;
	s8 =	smul.u32 $0x13C00, s6  }
0xa: {  	s4 =	simm.s32 $0x0;
	s6 =	sshll.u32 s6, $0xA;
	s9 =	smul.u32 $0x13C000, s2  }
0xb: {  	s2 =	ssub.s32 $0x2, s2;
	s7 =	sshll.u32 s5, $0x7;
	[smem:$0x7FF] =	sst s4  }
0xc: {  	s5 =	smul.u32 $0x600, s5;
	s31 =	sshrl.u32 s2, $0x1;
	s7 =	sand.u32 $0x380, s7  }
0xd: {  	_ =	strace $0x8000004A;
	s24 =	sadd.s32 s23, s9;
	s2 =	ssub.s32 s2, s31  }
0xe: {  	s23 =	simm.s32 $0x3;
	s8 =	sor.u32 s8, s7;
	s6 =	sor.u32 s6, s7  }
0xf: {  	s10 =	sadd.s32 s5, s0;
	s25 =	sshrl.u32 s24, $0x3;
	s5 =	sadd.s32 $0x2E00, s0  }
0x10: {  	s7 =	sshrl.u32 s26, $0x2;
	s24 =	simm.s32 $0x2698;
	s26 =	simm.s32 $0x5700  }
0x11: {  	s8 =	sshrl.u32 s8, $0x3;
	s6 =	sshrl.u32 s6, $0x3;
	s13 =	sadd.s32 s7, s3  }
0x12: {  	s9 =	sadd.s32 $0x17200, s10;
	s8 =	sadd.s32 s8, s0;
	s11 =	sadd.s32 s6, s0  }
0x13: {  	s0 =	sadd.s32 s25, s0;
	s6 =	sshll.u32 s12, $0x6;
	s12 =	smax.u32 s2, $0x1  }
0x14: {  	s13 =	sshrl.u32 s13, $0x3;
	s25 =	simm.s32 $0x5680;
	s7 =	sor.u32 $0x1C01, s6  }
0x15: {  	s8 =	sadd.s32 $0xD400, s8;
	s10 =	sadd.s32 $0xD200, s11;
	s11 =	sadd.s32 $0x23200, s0  }
.LBB2_1:
0x16: {  	[spmem:s13], [sflag:s7] =	dma.local [hbm:s5], $0x2780  }
0x17: {  	s0 =	simm.s32 $0x80;
	s2 =	simm.s32 $0x400  }
0x18: {  	[tilespmem:s4], [sflag:$0x2] =	stream.strided.gather [hbm4b:s8+s0], $0x2780, s2, s0, $0x38;
	[tilespmem:$0x1FC00] =	vst v63  }
0x19: {  	_ = 	snop  }
0x1a: {  	[tilespmem:s16], [sflag:$0x1] =	stream.linear.gather [hbm4b:s9+s4], $0x3000, $0x38;
	[tilespmem:$0x1FC00] =	vst v63  }
0x1b: {  	_ = 	snop  }
0x1c: {  	[tilespmem:s17], [sflag:$0x2] =	stream.linear.gather [hbm4b:s10+s4], $0x80, $0x38;
	[tilespmem:$0x1FC00] =	vst v63  }
0x1d: {  	_ =	swait.ge [sflag:s18], $0x2780  }
0x1e: {  	[sflag:s18] =	ssyncset.done $0x0  }
0x1f: {  	[sflag:s18] =	ssyncadd.s32 $0xFFFFD880  }
0x20: {  	_ =	swait.ge [sflag:s19], $0x2780  }
0x21: {  	[sflag:s19] =	ssyncset.done $0x0  }
0x22: {  	[sflag:s19] =	ssyncadd.s32 $0xFFFFD880  }
0x23: {  	_ =	swait.ge [sflag:s18], $0x3000  }
0x24: {  	[sflag:s18] =	ssyncset.done $0x0  }
0x25: {  	[sflag:s18] =	ssyncadd.s32 $0xFFFFD000  }
0x26: {  	_ =	swait.ge [sflag:s19], $0x80  }
0x27: {  	[sflag:s19] =	ssyncset.done $0x0  }
0x28: {  	[sflag:s19] =	ssyncadd.s32 $0xFFFFFF80  }
0x29: {  	[bflag:$0x0] =	sbarrier.arrive $0xFFFF  }
0x2a: {  	[tilespmem:s21], [sflag:$0x1] =	stream.indirect.gather [hbm4b:s1+s20], $0x80, s4, s20, $0xb8;
	[tilespmem:$0x1FC00] =	vst v63  }
0x2b: {  	s15 =	simm.s32 $0x68  }
0x2c: {  	[tilespmem:s22], [sflag:$0x2] =	stream.indirect.gather [hbm4b:s1+s20], $0x80, s15, s20, $0xb8;
	[tilespmem:$0x1FC00] =	vst v63  }
0x2d: {  	_ =	swait.ge [sflag:s18], $0x3400  }
0x2e: {  	[sflag:s18] =	ssyncset.done $0x0  }
0x2f: {  	s2 =	simm.s32 $0x2780;
	[sflag:s18] =	ssyncadd.s32 $0xFFFFCC00  }
0x30: {  	[spmem:s3] =	stream.indirect.scatter.add.f32 [tilespmem:s21], [sflag:$0x3], $0x80, s2, s20, $0xb8;
	[tilespmem:$0x1FC00] =	vst v63  }
0x31: {  	_ =	swait.ge [sflag:s23], $0x3400  }
0x32: {  	[sflag:s23] =	ssyncset.done $0x0  }
0x33: {  	s14 =	simm.s32 $0xD0;
	[sflag:s23] =	ssyncadd.s32 $0xFFFFCC00  }
0x34: {  	[tilespmem:s21], [sflag:$0x1] =	stream.indirect.gather [hbm4b:s1+s20], $0x80, s14, s20, $0xb8;
	[tilespmem:$0x1FC00] =	vst v63  }
0x35: {  	_ =	swait.ge [sflag:s19], $0x3400  }
0x36: {  	[sflag:s19] =	ssyncset.done $0x0  }
0x37: {  	s15 =	simm.s32 $0x2800;
	[sflag:s19] =	ssyncadd.s32 $0xFFFFCC00  }
0x38: {  	[spmem:s3] =	stream.indirect.scatter.add.f32 [tilespmem:s22], [sflag:$0x3], $0x80, s15, s20, $0xb8;
	[tilespmem:$0x1FC00] =	vst v63  }
0x39: {  	s31 =	simm.s32 $0x1A0;
	_ =	swait.ge [sflag:s23], $0x3400  }
0x3a: {  	s0 =	simm.s32 $0x800;
	s2 =	simm.s32 $0x400;
	[sflag:s23] =	ssyncset.done $0x0  }
.LBB2_2:
0x3b: {  	p0 =	sne.s32 s0, $0xB800;
	s14 =	sadd.s32 $0xFFFFFF98, s31;
	[sflag:s23] =	ssyncadd.s32 $0xFFFFCC00  }
0x3c: {  	[tilespmem:s22], [sflag:$0x2] =	stream.indirect.gather [hbm4b:s1+s20], $0x80, s14, s20, $0xb8;
	[tilespmem:$0x1FC00] =	vst v63  }
0x3d: {  	s14 =	smov.u32 s0;
	s0 =	sadd.s32 $0x400, s0;
	_ =	swait.ge [sflag:s18], $0x3400  }
0x3e: {  	s15 =	sshra.s32 s2, $0x2;
	s2 =	smov.u32 s14;
	[sflag:s18] =	ssyncset.done $0x0  }
0x3f: {  	s14 =	sadd.s32 $0x2780, s15;
	[sflag:s18] =	ssyncadd.s32 $0xFFFFCC00  }
0x40: {  	[spmem:s3] =	stream.indirect.scatter.add.f32 [tilespmem:s21], [sflag:$0x3], $0x80, s14, s20, $0xb8;
	[tilespmem:$0x1FC00] =	vst v63  }
0x41: {  	_ =	swait.ge [sflag:s23], $0x3400  }
0x42: {  	[sflag:s23] =	ssyncset.done $0x0  }
0x43: {  	[sflag:s23] =	ssyncadd.s32 $0xFFFFCC00  }
0x44: {  	[tilespmem:s21], [sflag:$0x1] =	stream.indirect.gather [hbm4b:s1+s20], $0x80, s31, s20, $0xb8;
	[tilespmem:$0x1FC00] =	vst v63  }
0x45: {  	_ =	swait.ge [sflag:s19], $0x3400  }
.Ltmp0:
0x46: {  	[sflag:s19] =	ssyncset.done $0x0;
	(pc) =	sbr.rel @p0 .LBB2_2-.Ltmp0, $4  }
0x47: {  	s14 =	sadd.s32 $0x2800, s15;
	[sflag:s19] =	ssyncadd.s32 $0xFFFFCC00  }
0x48: {  	[spmem:s3] =	stream.indirect.scatter.add.f32 [tilespmem:s22], [sflag:$0x3], $0x80, s14, s20, $0xb8;
	[tilespmem:$0x1FC00] =	vst v63  }
0x49: {  	_ =	swait.ge [sflag:s23], $0x3400  }
0x4a: {  	s31 =	sadd.s32 $0xD0, s31;
	[sflag:s23] =	ssyncset.done $0x0  }
0x4b: {  	s0 =	sadd.s32 $0xFFFFFF98, s31;
	[sflag:s23] =	ssyncadd.s32 $0xFFFFCC00  }
0x4c: {  	[tilespmem:s22], [sflag:$0x2] =	stream.indirect.gather [hbm4b:s1+s20], $0x80, s0, s20, $0xb8;
	[tilespmem:$0x1FC00] =	vst v63  }
0x4d: {  	_ =	swait.ge [sflag:s18], $0x3400  }
0x4e: {  	s15 =	sshra.s32 s2, $0x2;
	[sflag:s18] =	ssyncset.done $0x0  }
0x4f: {  	s2 =	sadd.s32 $0x2780, s15;
	[sflag:s18] =	ssyncadd.s32 $0xFFFFCC00  }
0x50: {  	[spmem:s3] =	stream.indirect.scatter.add.f32 [tilespmem:s21], [sflag:$0x3], $0x80, s2, s20, $0xb8;
	[tilespmem:$0x1FC00] =	vst v63  }
0x51: {  	_ =	swait.ge [sflag:s23], $0x3400  }
0x52: {  	[sflag:s23] =	ssyncset.done $0x0  }
0x53: {  	[sflag:s23] =	ssyncadd.s32 $0xFFFFCC00  }
0x54: {  	[tilespmem:s21], [sflag:$0x1] =	stream.indirect.gather [hbm4b:s1+s20], $0x80, s31, s20, $0xb8;
	[tilespmem:$0x1FC00] =	vst v63  }
0x55: {  	_ =	swait.ge [sflag:s19], $0x3400  }
0x56: {  	[sflag:s19] =	ssyncset.done $0x0  }
0x57: {  	s0 =	sadd.s32 $0x2800, s15;
	[sflag:s19] =	ssyncadd.s32 $0xFFFFCC00  }
0x58: {  	[spmem:s3] =	stream.indirect.scatter.add.f32 [tilespmem:s22], [sflag:$0x3], $0x80, s0, s20, $0xb8;
	[tilespmem:$0x1FC00] =	vst v63  }
0x59: {  	_ =	swait.ge [sflag:s23], $0x3400  }
0x5a: {  	[sflag:s23] =	ssyncset.done $0x0  }
0x5b: {  	[sflag:s23] =	ssyncadd.s32 $0xFFFFCC00  }
0x5c: {  	[tilespmem:s22], [sflag:$0x2] =	stream.indirect.gather [hbm4b:s1+s20], $0x80, s24, s20, $0xb8;
	[tilespmem:$0x1FC00] =	vst v63  }
0x5d: {  	_ =	swait.ge [sflag:s18], $0x3400  }
0x5e: {  	[sflag:s18] =	ssyncset.done $0x0  }
0x5f: {  	[sflag:s18] =	ssyncadd.s32 $0xFFFFCC00  }
0x60: {  	[spmem:s3] =	stream.indirect.scatter.add.f32 [tilespmem:s21], [sflag:$0x3], $0x80, s25, s20, $0xb8;
	[tilespmem:$0x1FC00] =	vst v63  }
0x61: {  	_ =	swait.ge [sflag:s23], $0x3400  }
0x62: {  	[sflag:s23] =	ssyncset.done $0x0  }
0x63: {  	[sflag:s23] =	ssyncadd.s32 $0xFFFFCC00  }
0x64: {  	_ =	swait.ge [sflag:s19], $0x3400  }
0x65: {  	[sflag:s19] =	ssyncset.done $0x0  }
0x66: {  	[sflag:s19] =	ssyncadd.s32 $0xFFFFCC00  }
0x67: {  	[spmem:s3] =	stream.indirect.scatter.add.f32 [tilespmem:s22], [sflag:$0x3], $0x80, s26, s20, $0xb8;
	[tilespmem:$0x1FC00] =	vst v63  }
0x68: {  	_ =	swait.ge [sflag:s23], $0x3400  }
0x69: {  	[sflag:s23] =	ssyncset.done $0x0  }
0x6a: {  	[sflag:s23] =	ssyncadd.s32 $0xFFFFCC00  }
0x6b: {  	[tilespmem:s21], [sflag:$0x1] =	stream.indirect.gather [hbm4b:s1+s28], $0x80, s29, s28, $0xb8;
	[tilespmem:$0x1FC00] =	vst v63  }
0x6c: {  	_ =	swait.ge [sflag:s18], $0x800  }
0x6d: {  	[sflag:s18] =	ssyncset.done $0x0  }
0x6e: {  	[sflag:s18] =	ssyncadd.s32 $0xFFFFF800  }
0x6f: {  	[spmem:s3] =	stream.indirect.scatter.add.f32 [tilespmem:s21], [sflag:$0x3], $0x80, s17, s28, $0xb8;
	[tilespmem:$0x1FC00] =	vst v63  }
0x70: {  	_ =	swait.ge [sflag:s23], $0x800  }
0x71: {  	s30 =	sadd.s32 $0x1, s30;
	[sflag:s23] =	ssyncset.done $0x0  }
0x72: {  	p0 =	sne.s32 s30, s12;
	[sflag:s23] =	ssyncadd.s32 $0xFFFFF800  }
.Ltmp1:
0x73: {  	s31 =	sor.u32 $0x1C03, s6;
	[bflag:$0x0] =	sbarrier.arrive $0xFFFF;
	(pc) =	sbr.rel @p0 .LBB2_1-.Ltmp1, $4  }
0x74: {  	[hbm:s11], [sflag:s31] =	dma.local [spmem:s13], $0x2780  }
0x75: {  	_ =	swait.ge [sflag:s23], $0x2780  }
0x76: {  	[sflag:s23] =	ssyncset.done $0x0  }
0x77: {  	[sflag:s23] =	ssyncadd.s32 $0xFFFFD880  }
0x78: {  	_ =	sfence.sel $0x180000  }
0x79: {  	[bflag:$0x0] =	sbarrier.arrive $0xFFFF  }
0x7a: {  	_ =	strace $0x9000004A  }
0x7b: {  	s0 =	stileid.u32;
	[bflag:$0x2] =	sbarrier.arrive $0xFFFF  }
0x7c: {  	p0 =	sne.s32 s0, $0x0;
	s0 =	rddreg [dreg:$0x3]  }
0x7d: {  	s0 =	sadd.s32 @!p0 $0x100000, s0  }
0x7e: {  	[sflag:s0] =	ssyncadd.tile.s32 @!p0 $0x1;
	_ =	shalt  }
.Lfunc_end2:
_tile_overlayer_lowered:
.L_overlay_start_2:
0x7f: {  	(tag) =	ssettag $0x2  }
0x80: {  	s0 =	rddreg [dreg:$0x0];
	s2 =	stileid.u32  }
0x81: {  	s1 =	rddreg [dreg:$0x1];
	p0 =	sne.s32 s2, $0x0  }
0x82: {  	s3 =	rddreg [dreg:$0x2];
	[bflag:$0x3] =	sbarrier.arrive $0xFFFF;
	s2 =	simm.s32 @!p0 $0x1C03  }
0x83: {  	[timem:s3], [sflag:s2] =	dma.local @!p0 [hbm:s0], s1  }
0x84: {  	s0 =	simm.s32 @!p0 $0x3  }
0x85: {  	_ =	swait.ge @!p0 [sflag:s0], s1  }
0x86: {  	s1 =	ssub.s32 @!p0 $0x0, s1;
	[sflag:s0] =	ssyncset.done @!p0 $0x0  }
0x87: {  	[sflag:s0] =	ssyncadd.s32 @!p0 s1  }
0x88: {  	[bflag:$0x3] =	sbarrier.arrive $0xFFFF  }
0x89: {  	_ =	shalt  }

// kernel: kernel.14.cloned.1.call-start
scs
__scs_entry_jumppad:
0x0: {  	(pc) =	sbr.rel $0x88, $3  }
0x1: {  	(tag) =	ssettag $0x0;
	lr =	simm.s32 $0x1  }
0x2: {  	[smem:$0x3F99] =	sst lr;
	_ =	strace $0xD0000000  }
0x3: {  	_ = 	snop  }
0x4: {  	_ = 	snop  }
0x5: {  	_ = 	snop  }
0x6: {  	_ = 	snop  }
0x7: {  	_ = 	snop  }
__scs_overlays_trampoline_lowered:
0x8: {  	[smem:$0x3FA8] =	sst s0  }
0x9: {  	[smem:$0x3FA9] =	sst s1  }
0xa: {  	[smem:$0x3FAA] =	sst s2  }
0xb: {  	[smem:$0x3FAB] =	sst s3  }
0xc: {  	[smem:$0x3FAC] =	sst s4  }
0xd: {  	[smem:$0x3FAD] =	sst s5  }
0xe: {  	[smem:$0x3FAE] =	sst s6  }
0xf: {  	[smem:$0x3FAF] =	sst s7  }
0x10: {  	[smem:$0x3FB0] =	sst s8  }
0x11: {  	[smem:$0x3FB1] =	sst s9;
	s0 =	simm.s32 @!p0 $0x0  }
0x12: {  	s1 =	sld [smem:$0x3F97];
	s0 =	simm.s32 @p0 $0x1  }
0x13: {  	[smem:$0x3FB2] =	sst s0;
	s0 =	simm.s32 @!p1 $0x0  }
0x14: {  	s2 =	sld [smem:$0x3F96];
	s0 =	simm.s32 @p1 $0x1  }
0x15: {  	[smem:$0x3FB3] =	sst s0;
	s0 =	simm.s32 @!p2 $0x0  }
0x16: {  	s3 =	sld [smem:$0x3FDB];
	s0 =	simm.s32 @p2 $0x1  }
0x17: {  	s4 =	simm.s32 $0x1BF5;
	[smem:$0x3FB5] =	sst s0  }
0x18: {  	s0 =	sld [smem:$0x3F98];
	_ =	swait.ge [sflag:s4], $0x0  }
0x19: {  	s7 =	sld [smem:$0x3F99]  }
0x1a: {  	s8 =	sadd.s32 $0xFFFFE003, lr  }
0x1b: {  	s9 =	sadd.s32 $0xFFFFFEF7, lr;
	s5 =	simm.s32 $0xFFFFFFFF;
	p2 =	slt.u32 s8, $0xFFFFF086  }
0x1c: {  	p1 =	slt.u32 s9, $0xF7A;
	s5 =	simm.s32 @!p2 $0x0  }
0x1d: {  	s5 =	simm.s32 @p1 $0x1;
	p0 =	seq.s32 s7, s2  }
0x1e: {  	s7 =	smul.u32 @!p0 $0xF7A, s2;
	p2 =	seq.s32 @!p0 s5, $0x0  }
0x1f: {  	s9 =	smul.u32 $0xF7A, s1;
	s8 =	simm.s32 @!p0 $0x1BF5;
	p2 =	por !p2, p0  }
0x20: {  	[sflag:s8] =	ssyncset.s32 @!p0 $0xFFFFF086;
	s6 =	sadd.s32 @!p0 s3, s7;
	s7 =	simm.s32 @!p0 $0x108  }
0x21: {  	s3 =	sadd.s32 s3, s9;
	s6 =	sadd.s32 @!p0 $0x88, s6;
	s7 =	simm.s32 @p2 $0x1082  }
0x22: {  	[simem:s7], [sflag:s8] =	dma.local @!p0 [hbm:s6], $0xF7A  }
0x23: {  	s9 =	sor.u32 $0xD0000000, s2;
	s6 =	simm.s32 $0x108;
	_ =	swait.ge @!p0 [sflag:s8], $0x0  }
0x24: {  	s3 =	sadd.s32 $0x88, s3;
	s6 =	simm.s32 @!p1 $0x1082;
	[sflag:s4] =	ssyncset.s32 $0xFFFFF086  }
0x25: {  	[simem:s6], [sflag:s4] =	dma.local [hbm:s3], $0xF7A  }
0x26: {  	[smem:$0x3F99] =	sst s1;
	(tag) =	ssettag s2;
	_ =	strace s9  }
0x27: {  	s1 =	sld [smem:$0x3FA9]  }
0x28: {  	s2 =	sld [smem:$0x3FAA]  }
0x29: {  	s4 =	sld [smem:$0x3FAC]  }
0x2a: {  	p0 =	seq.s32 s5, $0x0;
	s5 =	sld [smem:$0x3FAD]  }
0x2b: {  	s6 =	sld [smem:$0x3FAE]  }
0x2c: {  	s7 =	sld [smem:$0x3FAF]  }
0x2d: {  	s3 =	simm.s32 $0x108;
	s8 =	sld [smem:$0x3FB0]  }
0x2e: {  	s3 =	simm.s32 @!p0 $0x1082;
	s9 =	sld [smem:$0x3FB1]  }
0x2f: {  	lr =	sadd.s32 s0, s3;
	s0 =	sld [smem:$0x3FA8]  }
0x30: {  	s3 =	sld [smem:$0x3FAB]  }
0x31: {  	[smem:$0x3FB4] =	sst s10  }
0x32: {  	s10 =	sld [smem:$0x3FB2];
	_ =	sdelay $0x3  }
0x33: {  	p0 =	seq.s32 s10, $0x1;
	s10 =	sld [smem:$0x3FB4];
	_ =	sdelay $0x3  }
0x34: {  	[smem:$0x3FB4] =	sst s10  }
0x35: {  	s10 =	sld [smem:$0x3FB3];
	_ =	sdelay $0x3  }
0x36: {  	p1 =	seq.s32 s10, $0x1;
	s10 =	sld [smem:$0x3FB4];
	_ =	sdelay $0x3  }
0x37: {  	[smem:$0x3FB4] =	sst s10  }
0x38: {  	s10 =	sld [smem:$0x3FB5]  }
0x39: {  	_ = 	snop;
	(pc) =	sbr.ind lr, $3  }
0x3a: {  	_ = 	snop  }
0x3b: {  	_ = 	snop  }
0x3c: {  	p2 =	seq.s32 s10, $0x1;
	s10 =	sld [smem:$0x3FB4]  }
0x3d: {  	_ =	shalt  }
0x3e: {  	_ =	shalt  }
0x3f: {  	_ =	shalt  }
0x40: {  	_ =	shalt  }
0x41: {  	_ =	shalt  }
0x42: {  	_ =	shalt  }
0x43: {  	_ =	shalt  }
0x44: {  	_ =	shalt  }
0x45: {  	_ =	shalt  }
0x46: {  	_ =	shalt  }
0x47: {  	_ =	shalt  }
0x48: {  	_ =	shalt  }
0x49: {  	_ =	shalt  }
0x4a: {  	_ =	shalt  }
0x4b: {  	_ =	shalt  }
0x4c: {  	_ =	shalt  }
0x4d: {  	_ =	shalt  }
0x4e: {  	_ =	shalt  }
0x4f: {  	_ =	shalt  }
0x50: {  	_ =	shalt  }
0x51: {  	_ =	shalt  }
0x52: {  	_ =	shalt  }
0x53: {  	_ =	shalt  }
0x54: {  	_ =	shalt  }
0x55: {  	_ =	shalt  }
0x56: {  	_ =	shalt  }
0x57: {  	_ =	shalt  }
0x58: {  	_ =	shalt  }
0x59: {  	_ =	shalt  }
0x5a: {  	_ =	shalt  }
0x5b: {  	_ =	shalt  }
0x5c: {  	_ =	shalt  }
0x5d: {  	_ =	shalt  }
0x5e: {  	_ =	shalt  }
0x5f: {  	_ =	shalt  }
0x60: {  	_ =	shalt  }
0x61: {  	_ =	shalt  }
0x62: {  	_ =	shalt  }
0x63: {  	_ =	shalt  }
0x64: {  	_ =	shalt  }
0x65: {  	_ =	shalt  }
0x66: {  	_ =	shalt  }
0x67: {  	_ =	shalt  }
0x68: {  	_ =	shalt  }
0x69: {  	_ =	shalt  }
0x6a: {  	_ =	shalt  }
0x6b: {  	_ =	shalt  }
0x6c: {  	_ =	shalt  }
0x6d: {  	_ =	shalt  }
0x6e: {  	_ =	shalt  }
0x6f: {  	_ =	shalt  }
0x70: {  	_ =	shalt  }
0x71: {  	_ =	shalt  }
0x72: {  	_ =	shalt  }
0x73: {  	_ =	shalt  }
0x74: {  	_ =	shalt  }
0x75: {  	_ =	shalt  }
0x76: {  	_ =	shalt  }
0x77: {  	_ =	shalt  }
0x78: {  	_ =	shalt  }
0x79: {  	_ =	shalt  }
0x7a: {  	_ =	shalt  }
0x7b: {  	_ =	shalt  }
0x7c: {  	_ =	shalt  }
0x7d: {  	_ =	shalt  }
0x7e: {  	_ =	shalt  }
0x7f: {  	_ =	shalt  }
0x80: {  	_ =	shalt  }
0x81: {  	_ =	shalt  }
0x82: {  	_ =	shalt  }
0x83: {  	_ =	shalt  }
0x84: {  	_ =	shalt  }
0x85: {  	_ =	shalt  }
0x86: {  	_ =	shalt  }
0x87: {  	_ =	shalt  }
.Lfunc_end0:
.L_simem_size_0:
called_computation.2_lowered:
.L_overlay_start_0:
0x88: {  	s2 =	sld [smem:$0x3FD9]  }
0x89: {  	s3 =	sld [smem:$0x3FFE];
	_ =	sdelay $0x1  }
0x8a: {  	s1 =	srdreg.scid  }
0x8b: {  	s0 =	sand.u32 $0x1, s1  }
0x8c: {  	s17 =	sshll.u32 s0, $0xA;
	s2 =	sadd.s32 s3, s2  }
0x8d: {  	s2 =	sadd.s32 s2, s17  }
0x8e: {  	[smem:$0x3FC0] =	sst s2  }
0x8f: {  	_ = 	snop  }
0x90: {  	s2 =	sld [smem:$0x3FD0];
	(tm) =	ssettm $0x1  }
0x91: {  	s18 =	sld [smem:$0x3FFB];
	_ =	sdelay $0x3  }
0x92: {  	_ =	strace s18  }
0x93: {  	s3 =	sld [smem:$0x3FFC];
	_ =	sdelay $0x3  }
0x94: {  	_ =	strace s3  }
0x95: {  	s3 =	sld [smem:$0x3FFD];
	_ =	sdelay $0x3  }
0x96: {  	_ =	strace s3  }
0x97: {  	_ =	strace $0x8FFFFFFF  }
0x98: {  	s19 =	sld [smem:$0x3FDB];
	_ =	sdelay $0x1  }
0x99: {  	s4 =	simm.s32 $_scs_section_size  }
0x9a: {  	s5 =	simm.s32 $_size__tile_overlayer_lowered;
	s6 =	simm.s32 $_tile_overlayer_lowered  }
0x9b: {  	s22 =	simm.s32 $0x1BFF;
	s21 =	sshll.u32 s6, $0x1;
	s3 =	sadd.s32 s4, s19  }
0x9c: {  	s7 =	simm.s32 $0x0;
	s20 =	sshll.u32 s5, $0x1;
	s5 =	sadd.s32 s21, s3  }
0x9d: {  	[timem:s7], [sflag:s22] =	dma.local [hbm:s5], s20  }
0x9e: {  	_ =	swait.ge [sflag:s22], s20  }
0x9f: {  	s4 =	ssub.s32 $0x0, s20;
	[sflag:s22] =	ssyncset.done $0x0  }
0xa0: {  	[sflag:s22] =	ssyncadd.s32 s4;
	_ =	sdelay $0x1  }
0xa1: {  	s23 =	simm.s32 $0x1B8B  }
0xa2: {  	_ =	swait.ge [sflag:s23], $0x1  }
0xa3: {  	[sflag:s23] =	ssyncset.done $0x0  }
0xa4: {  	s25 =	simm.s32 $0x1B8E;
	s24 =	sld [smem:$0x3FFE];
	[sflag:s23] =	ssyncadd.s32 $0xFFFFFFFF  }
0xa5: {  	s26 =	simm.s32 $execute0_lowered;
	[smem:$0x3FD2] =	sst s25  }
0xa6: {  	s5 =	sshll.u32 s26, $0x1;
	_ =	strace $0x8000004C;
	[dreg:$0x1] =	wrdreg $0xFFFFFFFF  }
0xa7: {  	s28 =	simm.s32 $_size_execute0_lowered;
	s3 =	sadd.s32 s3, s5;
	[dreg:$0x0] =	wrdreg $0x0  }
0xa8: {  	s5 =	sshll.u32 s28, $0x1;
	[dreg:$0x2] =	wrdreg s3  }
0xa9: {  	[dreg:$0x3] =	wrdreg s5  }
0xaa: {  	[dreg:$0x4] =	wrdreg $0xC0  }
0xab: {  	_ =	task [dreg:s7], $0x5FFFF  }
0xac: {  	[dreg:$0x1] =	wrdreg $0xFFFFFFFF  }
0xad: {  	[dreg:$0x0] =	wrdreg $0x60  }
0xae: {  	[dreg:$0x2] =	wrdreg s2  }
0xaf: {  	[dreg:$0x3] =	wrdreg s24  }
0xb0: {  	[dreg:$0x4] =	wrdreg $0xC0000  }
0xb1: {  	[dreg:$0x5] =	wrdreg $0x9  }
0xb2: {  	_ =	task.clear_ibuf [dreg:s7], $0x6FFFF;
	_ =	strace $0x9000004C  }
0xb3: {  	s29 =	simm.s32 $0x9;
	_ =	strace $0x8000004E  }
0xb4: {  	_ =	swait.ge [sflag:s29], $0x1  }
0xb5: {  	[sflag:s29] =	ssyncadd.s32 $0xFFFFFFFF  }
0xb6: {  	_ =	strace $0x9000004E  }
0xb7: {  	_ =	sfence  }
0xb8: {  	s30 =	sld [smem:$0x0];
	_ =	sdelay $0x2  }
0xb9: {  	s31 =	sshll.u32 s1, $0xD;
	s1 =	sshrl.u32 s1, $0x2  }
0xba: {  	s3 =	sand.u32 $0x4000, s31;
	s1 =	sadd.s32 s1, s30  }
0xbb: {  	s0 =	sor.u32 s3, s0;
	s1 =	sshll.u32 s1, $0x11  }
0xbc: {  	s0 =	sor.u32 s1, s0  }
0xbd: {  	s0 =	sadd.s32 $0x8F2B, s0  }
0xbe: {  	[sflag:s0] =	ssyncadd.remote.s32 $0x1  }
0xbf: {  	_ =	sfence.sel $0xFFFF  }
0xc0: {  	[dreg:$0x0] =	wrdreg $0xFFFFFFFF;
	(pc) =	sbr.abs _section_cstart, $3  }
0xc1: {  	[dreg:$0x1] =	wrdreg $0xFFFFFFFF  }
0xc2: {  	_ =	task.clear_ibuf [dreg:s7], $0x2FFFF;
	_ =	strace $0x9FFFFFFF  }
0xc3: {  	(tm) =	ssettm $0x7FFFFFFF  }
tec
execute0_lowered:
.L_overlay_start_1:
0x0: {  	(tag) =	ssettag $0x1  }
0x1: {  	s1 =	rddreg [dreg:$0x0]  }
0x2: {  	s0 =	rddreg [dreg:$0x1]  }
0x3: {  	s2 =	srdreg.scid;
	s12 =	stileid.u32  }
0x4: {  	s3 =	rddreg [dreg:$0x2];
	s16 =	simm.s32 $0x2780;
	s17 =	simm.s32 $0x5780  }
0x5: {  	s18 =	simm.s32 $0x1;
	s19 =	simm.s32 $0x2;
	s20 =	simm.s32 $0x68  }
0x6: {  	s21 =	simm.s32 $0x5800;
	s22 =	simm.s32 $0x8C00;
	s28 =	simm.s32 $0x10  }
0x7: {  	s29 =	simm.s32 $0x2700;
	s2 =	sand.u32 $0x1, s2;
	s23 =	smul.u32 $0x13C00, s12  }
0x8: {  	s4 =	sshll.u32 s12, $0x1;
	s6 =	sshrl.u32 s12, $0x2;
	s26 =	smul.u32 $0x4F000, s12  }
0x9: {  	s30 =	simm.s32 $0x0;
	s5 =	sor.u32 s2, s4;
	s8 =	smul.u32 $0x13C00, s6  }
0xa: {  	s4 =	simm.s32 $0x0;
	s6 =	sshll.u32 s6, $0xA;
	s9 =	smul.u32 $0x13C000, s2  }
0xb: {  	s2 =	ssub.s32 $0x2, s2;
	s7 =	sshll.u32 s5, $0x7;
	[smem:$0x7FF] =	sst s4  }
0xc: {  	s5 =	smul.u32 $0x600, s5;
	s31 =	sshrl.u32 s2, $0x1;
	s7 =	sand.u32 $0x380, s7  }
0xd: {  	_ =	strace $0x8000004D;
	s24 =	sadd.s32 s23, s9;
	s2 =	ssub.s32 s2, s31  }
0xe: {  	s23 =	simm.s32 $0x3;
	s8 =	sor.u32 s8, s7;
	s6 =	sor.u32 s6, s7  }
0xf: {  	s10 =	sadd.s32 s5, s0;
	s25 =	sshrl.u32 s24, $0x3;
	s5 =	sadd.s32 $0x2E00, s0  }
0x10: {  	s7 =	sshrl.u32 s26, $0x2;
	s24 =	simm.s32 $0x2698;
	s26 =	simm.s32 $0x5700  }
0x11: {  	s8 =	sshrl.u32 s8, $0x3;
	s6 =	sshrl.u32 s6, $0x3;
	s13 =	sadd.s32 s7, s3  }
0x12: {  	s9 =	sadd.s32 $0x17200, s10;
	s8 =	sadd.s32 s8, s0;
	s11 =	sadd.s32 s6, s0  }
0x13: {  	s0 =	sadd.s32 s25, s0;
	s6 =	sshll.u32 s12, $0x6;
	s12 =	smax.u32 s2, $0x1  }
0x14: {  	s13 =	sshrl.u32 s13, $0x3;
	s25 =	simm.s32 $0x5680;
	s7 =	sor.u32 $0x1C01, s6  }
0x15: {  	s8 =	sadd.s32 $0xD400, s8;
	s10 =	sadd.s32 $0xD200, s11;
	s11 =	sadd.s32 $0x23200, s0  }
.LBB2_1:
0x16: {  	[spmem:s13], [sflag:s7] =	dma.local [hbm:s5], $0x2780  }
0x17: {  	s0 =	simm.s32 $0x80;
	s2 =	simm.s32 $0x400  }
0x18: {  	[tilespmem:s4], [sflag:$0x2] =	stream.strided.gather [hbm4b:s8+s0], $0x2780, s2, s0, $0x38;
	[tilespmem:$0x1FC00] =	vst v63  }
0x19: {  	_ = 	snop  }
0x1a: {  	[tilespmem:s16], [sflag:$0x1] =	stream.linear.gather [hbm4b:s9+s4], $0x3000, $0x38;
	[tilespmem:$0x1FC00] =	vst v63  }
0x1b: {  	_ = 	snop  }
0x1c: {  	[tilespmem:s17], [sflag:$0x2] =	stream.linear.gather [hbm4b:s10+s4], $0x80, $0x38;
	[tilespmem:$0x1FC00] =	vst v63  }
0x1d: {  	_ =	swait.ge [sflag:s18], $0x2780  }
0x1e: {  	[sflag:s18] =	ssyncset.done $0x0  }
0x1f: {  	[sflag:s18] =	ssyncadd.s32 $0xFFFFD880  }
0x20: {  	_ =	swait.ge [sflag:s19], $0x2780  }
0x21: {  	[sflag:s19] =	ssyncset.done $0x0  }
0x22: {  	[sflag:s19] =	ssyncadd.s32 $0xFFFFD880  }
0x23: {  	_ =	swait.ge [sflag:s18], $0x3000  }
0x24: {  	[sflag:s18] =	ssyncset.done $0x0  }
0x25: {  	[sflag:s18] =	ssyncadd.s32 $0xFFFFD000  }
0x26: {  	_ =	swait.ge [sflag:s19], $0x80  }
0x27: {  	[sflag:s19] =	ssyncset.done $0x0  }
0x28: {  	[sflag:s19] =	ssyncadd.s32 $0xFFFFFF80  }
0x29: {  	[bflag:$0x0] =	sbarrier.arrive $0xFFFF  }
0x2a: {  	[tilespmem:s21], [sflag:$0x1] =	stream.indirect.gather [hbm4b:s1+s20], $0x80, s4, s20, $0xb8;
	[tilespmem:$0x1FC00] =	vst v63  }
0x2b: {  	s15 =	simm.s32 $0x68  }
0x2c: {  	[tilespmem:s22], [sflag:$0x2] =	stream.indirect.gather [hbm4b:s1+s20], $0x80, s15, s20, $0xb8;
	[tilespmem:$0x1FC00] =	vst v63  }
0x2d: {  	_ =	swait.ge [sflag:s18], $0x3400  }
0x2e: {  	[sflag:s18] =	ssyncset.done $0x0  }
0x2f: {  	s2 =	simm.s32 $0x2780;
	[sflag:s18] =	ssyncadd.s32 $0xFFFFCC00  }
0x30: {  	[spmem:s3] =	stream.indirect.scatter.add.f32 [tilespmem:s21], [sflag:$0x3], $0x80, s2, s20, $0xb8;
	[tilespmem:$0x1FC00] =	vst v63  }
0x31: {  	_ =	swait.ge [sflag:s23], $0x3400  }
0x32: {  	[sflag:s23] =	ssyncset.done $0x0  }
0x33: {  	s14 =	simm.s32 $0xD0;
	[sflag:s23] =	ssyncadd.s32 $0xFFFFCC00  }
0x34: {  	[tilespmem:s21], [sflag:$0x1] =	stream.indirect.gather [hbm4b:s1+s20], $0x80, s14, s20, $0xb8;
	[tilespmem:$0x1FC00] =	vst v63  }
0x35: {  	_ =	swait.ge [sflag:s19], $0x3400  }
0x36: {  	[sflag:s19] =	ssyncset.done $0x0  }
0x37: {  	s15 =	simm.s32 $0x2800;
	[sflag:s19] =	ssyncadd.s32 $0xFFFFCC00  }
0x38: {  	[spmem:s3] =	stream.indirect.scatter.add.f32 [tilespmem:s22], [sflag:$0x3], $0x80, s15, s20, $0xb8;
	[tilespmem:$0x1FC00] =	vst v63  }
0x39: {  	s31 =	simm.s32 $0x1A0;
	_ =	swait.ge [sflag:s23], $0x3400  }
0x3a: {  	s0 =	simm.s32 $0x800;
	s2 =	simm.s32 $0x400;
	[sflag:s23] =	ssyncset.done $0x0  }
.LBB2_2:
0x3b: {  	p0 =	sne.s32 s0, $0xB800;
	s14 =	sadd.s32 $0xFFFFFF98, s31;
	[sflag:s23] =	ssyncadd.s32 $0xFFFFCC00  }
0x3c: {  	[tilespmem:s22], [sflag:$0x2] =	stream.indirect.gather [hbm4b:s1+s20], $0x80, s14, s20, $0xb8;
	[tilespmem:$0x1FC00] =	vst v63  }
0x3d: {  	s14 =	smov.u32 s0;
	s0 =	sadd.s32 $0x400, s0;
	_ =	swait.ge [sflag:s18], $0x3400  }
0x3e: {  	s15 =	sshra.s32 s2, $0x2;
	s2 =	smov.u32 s14;
	[sflag:s18] =	ssyncset.done $0x0  }
0x3f: {  	s14 =	sadd.s32 $0x2780, s15;
	[sflag:s18] =	ssyncadd.s32 $0xFFFFCC00  }
0x40: {  	[spmem:s3] =	stream.indirect.scatter.add.f32 [tilespmem:s21], [sflag:$0x3], $0x80, s14, s20, $0xb8;
	[tilespmem:$0x1FC00] =	vst v63  }
0x41: {  	_ =	swait.ge [sflag:s23], $0x3400  }
0x42: {  	[sflag:s23] =	ssyncset.done $0x0  }
0x43: {  	[sflag:s23] =	ssyncadd.s32 $0xFFFFCC00  }
0x44: {  	[tilespmem:s21], [sflag:$0x1] =	stream.indirect.gather [hbm4b:s1+s20], $0x80, s31, s20, $0xb8;
	[tilespmem:$0x1FC00] =	vst v63  }
0x45: {  	_ =	swait.ge [sflag:s19], $0x3400  }
.Ltmp0:
0x46: {  	[sflag:s19] =	ssyncset.done $0x0;
	(pc) =	sbr.rel @p0 .LBB2_2-.Ltmp0, $4  }
0x47: {  	s14 =	sadd.s32 $0x2800, s15;
	[sflag:s19] =	ssyncadd.s32 $0xFFFFCC00  }
0x48: {  	[spmem:s3] =	stream.indirect.scatter.add.f32 [tilespmem:s22], [sflag:$0x3], $0x80, s14, s20, $0xb8;
	[tilespmem:$0x1FC00] =	vst v63  }
0x49: {  	_ =	swait.ge [sflag:s23], $0x3400  }
0x4a: {  	s31 =	sadd.s32 $0xD0, s31;
	[sflag:s23] =	ssyncset.done $0x0  }
0x4b: {  	s0 =	sadd.s32 $0xFFFFFF98, s31;
	[sflag:s23] =	ssyncadd.s32 $0xFFFFCC00  }
0x4c: {  	[tilespmem:s22], [sflag:$0x2] =	stream.indirect.gather [hbm4b:s1+s20], $0x80, s0, s20, $0xb8;
	[tilespmem:$0x1FC00] =	vst v63  }
0x4d: {  	_ =	swait.ge [sflag:s18], $0x3400  }
0x4e: {  	s15 =	sshra.s32 s2, $0x2;
	[sflag:s18] =	ssyncset.done $0x0  }
0x4f: {  	s2 =	sadd.s32 $0x2780, s15;
	[sflag:s18] =	ssyncadd.s32 $0xFFFFCC00  }
0x50: {  	[spmem:s3] =	stream.indirect.scatter.add.f32 [tilespmem:s21], [sflag:$0x3], $0x80, s2, s20, $0xb8;
	[tilespmem:$0x1FC00] =	vst v63  }
0x51: {  	_ =	swait.ge [sflag:s23], $0x3400  }
0x52: {  	[sflag:s23] =	ssyncset.done $0x0  }
0x53: {  	[sflag:s23] =	ssyncadd.s32 $0xFFFFCC00  }
0x54: {  	[tilespmem:s21], [sflag:$0x1] =	stream.indirect.gather [hbm4b:s1+s20], $0x80, s31, s20, $0xb8;
	[tilespmem:$0x1FC00] =	vst v63  }
0x55: {  	_ =	swait.ge [sflag:s19], $0x3400  }
0x56: {  	[sflag:s19] =	ssyncset.done $0x0  }
0x57: {  	s0 =	sadd.s32 $0x2800, s15;
	[sflag:s19] =	ssyncadd.s32 $0xFFFFCC00  }
0x58: {  	[spmem:s3] =	stream.indirect.scatter.add.f32 [tilespmem:s22], [sflag:$0x3], $0x80, s0, s20, $0xb8;
	[tilespmem:$0x1FC00] =	vst v63  }
0x59: {  	_ =	swait.ge [sflag:s23], $0x3400  }
0x5a: {  	[sflag:s23] =	ssyncset.done $0x0  }
0x5b: {  	[sflag:s23] =	ssyncadd.s32 $0xFFFFCC00  }
0x5c: {  	[tilespmem:s22], [sflag:$0x2] =	stream.indirect.gather [hbm4b:s1+s20], $0x80, s24, s20, $0xb8;
	[tilespmem:$0x1FC00] =	vst v63  }
0x5d: {  	_ =	swait.ge [sflag:s18], $0x3400  }
0x5e: {  	[sflag:s18] =	ssyncset.done $0x0  }
0x5f: {  	[sflag:s18] =	ssyncadd.s32 $0xFFFFCC00  }
0x60: {  	[spmem:s3] =	stream.indirect.scatter.add.f32 [tilespmem:s21], [sflag:$0x3], $0x80, s25, s20, $0xb8;
	[tilespmem:$0x1FC00] =	vst v63  }
0x61: {  	_ =	swait.ge [sflag:s23], $0x3400  }
0x62: {  	[sflag:s23] =	ssyncset.done $0x0  }
0x63: {  	[sflag:s23] =	ssyncadd.s32 $0xFFFFCC00  }
0x64: {  	_ =	swait.ge [sflag:s19], $0x3400  }
0x65: {  	[sflag:s19] =	ssyncset.done $0x0  }
0x66: {  	[sflag:s19] =	ssyncadd.s32 $0xFFFFCC00  }
0x67: {  	[spmem:s3] =	stream.indirect.scatter.add.f32 [tilespmem:s22], [sflag:$0x3], $0x80, s26, s20, $0xb8;
	[tilespmem:$0x1FC00] =	vst v63  }
0x68: {  	_ =	swait.ge [sflag:s23], $0x3400  }
0x69: {  	[sflag:s23] =	ssyncset.done $0x0  }
0x6a: {  	[sflag:s23] =	ssyncadd.s32 $0xFFFFCC00  }
0x6b: {  	[tilespmem:s21], [sflag:$0x1] =	stream.indirect.gather [hbm4b:s1+s28], $0x80, s29, s28, $0xb8;
	[tilespmem:$0x1FC00] =	vst v63  }
0x6c: {  	_ =	swait.ge [sflag:s18], $0x800  }
0x6d: {  	[sflag:s18] =	ssyncset.done $0x0  }
0x6e: {  	[sflag:s18] =	ssyncadd.s32 $0xFFFFF800  }
0x6f: {  	[spmem:s3] =	stream.indirect.scatter.add.f32 [tilespmem:s21], [sflag:$0x3], $0x80, s17, s28, $0xb8;
	[tilespmem:$0x1FC00] =	vst v63  }
0x70: {  	_ =	swait.ge [sflag:s23], $0x800  }
0x71: {  	s30 =	sadd.s32 $0x1, s30;
	[sflag:s23] =	ssyncset.done $0x0  }
0x72: {  	p0 =	sne.s32 s30, s12;
	[sflag:s23] =	ssyncadd.s32 $0xFFFFF800  }
.Ltmp1:
0x73: {  	s31 =	sor.u32 $0x1C03, s6;
	[bflag:$0x0] =	sbarrier.arrive $0xFFFF;
	(pc) =	sbr.rel @p0 .LBB2_1-.Ltmp1, $4  }
0x74: {  	[hbm:s11], [sflag:s31] =	dma.local [spmem:s13], $0x2780  }
0x75: {  	_ =	swait.ge [sflag:s23], $0x2780  }
0x76: {  	[sflag:s23] =	ssyncset.done $0x0  }
0x77: {  	[sflag:s23] =	ssyncadd.s32 $0xFFFFD880  }
0x78: {  	_ =	sfence.sel $0x180000  }
0x79: {  	[bflag:$0x0] =	sbarrier.arrive $0xFFFF  }
0x7a: {  	_ =	strace $0x9000004D  }
0x7b: {  	s0 =	stileid.u32;
	[bflag:$0x2] =	sbarrier.arrive $0xFFFF  }
0x7c: {  	p0 =	sne.s32 s0, $0x0;
	s0 =	rddreg [dreg:$0x3]  }
0x7d: {  	s0 =	sadd.s32 @!p0 $0x100000, s0  }
0x7e: {  	[sflag:s0] =	ssyncadd.tile.s32 @!p0 $0x1;
	_ =	shalt  }
.Lfunc_end2:
_tile_overlayer_lowered:
.L_overlay_start_2:
0x7f: {  	(tag) =	ssettag $0x2  }
0x80: {  	s0 =	rddreg [dreg:$0x0];
	s2 =	stileid.u32  }
0x81: {  	s1 =	rddreg [dreg:$0x1];
	p0 =	sne.s32 s2, $0x0  }
0x82: {  	s3 =	rddreg [dreg:$0x2];
	[bflag:$0x3] =	sbarrier.arrive $0xFFFF;
	s2 =	simm.s32 @!p0 $0x1C03  }
0x83: {  	[timem:s3], [sflag:s2] =	dma.local @!p0 [hbm:s0], s1  }
0x84: {  	s0 =	simm.s32 @!p0 $0x3  }
0x85: {  	_ =	swait.ge @!p0 [sflag:s0], s1  }
0x86: {  	s1 =	ssub.s32 @!p0 $0x0, s1;
	[sflag:s0] =	ssyncset.done @!p0 $0x0  }
0x87: {  	[sflag:s0] =	ssyncadd.s32 @!p0 s1  }
0x88: {  	[bflag:$0x3] =	sbarrier.arrive $0xFFFF  }
0x89: {  	_ =	shalt  }

// kernel: kernel.8.cloned.1.call-start
scs
__scs_entry_jumppad:
0x0: {  	(pc) =	sbr.rel $0x88, $3  }
0x1: {  	(tag) =	ssettag $0x0;
	lr =	simm.s32 $0x1  }
0x2: {  	[smem:$0x3F99] =	sst lr;
	_ =	strace $0xD0000000  }
0x3: {  	_ = 	snop  }
0x4: {  	_ = 	snop  }
0x5: {  	_ = 	snop  }
0x6: {  	_ = 	snop  }
0x7: {  	_ = 	snop  }
__scs_overlays_trampoline_lowered:
0x8: {  	[smem:$0x3FA8] =	sst s0  }
0x9: {  	[smem:$0x3FA9] =	sst s1  }
0xa: {  	[smem:$0x3FAA] =	sst s2  }
0xb: {  	[smem:$0x3FAB] =	sst s3  }
0xc: {  	[smem:$0x3FAC] =	sst s4  }
0xd: {  	[smem:$0x3FAD] =	sst s5  }
0xe: {  	[smem:$0x3FAE] =	sst s6  }
0xf: {  	[smem:$0x3FAF] =	sst s7  }
0x10: {  	[smem:$0x3FB0] =	sst s8  }
0x11: {  	[smem:$0x3FB1] =	sst s9;
	s0 =	simm.s32 @!p0 $0x0  }
0x12: {  	s1 =	sld [smem:$0x3F97];
	s0 =	simm.s32 @p0 $0x1  }
0x13: {  	[smem:$0x3FB2] =	sst s0;
	s0 =	simm.s32 @!p1 $0x0  }
0x14: {  	s2 =	sld [smem:$0x3F96];
	s0 =	simm.s32 @p1 $0x1  }
0x15: {  	[smem:$0x3FB3] =	sst s0;
	s0 =	simm.s32 @!p2 $0x0  }
0x16: {  	s3 =	sld [smem:$0x3FDB];
	s0 =	simm.s32 @p2 $0x1  }
0x17: {  	s4 =	simm.s32 $0x1BF5;
	[smem:$0x3FB5] =	sst s0  }
0x18: {  	s0 =	sld [smem:$0x3F98];
	_ =	swait.ge [sflag:s4], $0x0  }
0x19: {  	s7 =	sld [smem:$0x3F99]  }
0x1a: {  	s8 =	sadd.s32 $0xFFFFE003, lr  }
0x1b: {  	s9 =	sadd.s32 $0xFFFFFEF7, lr;
	s5 =	simm.s32 $0xFFFFFFFF;
	p2 =	slt.u32 s8, $0xFFFFF086  }
0x1c: {  	p1 =	slt.u32 s9, $0xF7A;
	s5 =	simm.s32 @!p2 $0x0  }
0x1d: {  	s5 =	simm.s32 @p1 $0x1;
	p0 =	seq.s32 s7, s2  }
0x1e: {  	s7 =	smul.u32 @!p0 $0xF7A, s2;
	p2 =	seq.s32 @!p0 s5, $0x0  }
0x1f: {  	s9 =	smul.u32 $0xF7A, s1;
	s8 =	simm.s32 @!p0 $0x1BF5;
	p2 =	por !p2, p0  }
0x20: {  	[sflag:s8] =	ssyncset.s32 @!p0 $0xFFFFF086;
	s6 =	sadd.s32 @!p0 s3, s7;
	s7 =	simm.s32 @!p0 $0x108  }
0x21: {  	s3 =	sadd.s32 s3, s9;
	s6 =	sadd.s32 @!p0 $0x88, s6;
	s7 =	simm.s32 @p2 $0x1082  }
0x22: {  	[simem:s7], [sflag:s8] =	dma.local @!p0 [hbm:s6], $0xF7A  }
0x23: {  	s9 =	sor.u32 $0xD0000000, s2;
	s6 =	simm.s32 $0x108;
	_ =	swait.ge @!p0 [sflag:s8], $0x0  }
0x24: {  	s3 =	sadd.s32 $0x88, s3;
	s6 =	simm.s32 @!p1 $0x1082;
	[sflag:s4] =	ssyncset.s32 $0xFFFFF086  }
0x25: {  	[simem:s6], [sflag:s4] =	dma.local [hbm:s3], $0xF7A  }
0x26: {  	[smem:$0x3F99] =	sst s1;
	(tag) =	ssettag s2;
	_ =	strace s9  }
0x27: {  	s1 =	sld [smem:$0x3FA9]  }
0x28: {  	s2 =	sld [smem:$0x3FAA]  }
0x29: {  	s4 =	sld [smem:$0x3FAC]  }
0x2a: {  	p0 =	seq.s32 s5, $0x0;
	s5 =	sld [smem:$0x3FAD]  }
0x2b: {  	s6 =	sld [smem:$0x3FAE]  }
0x2c: {  	s7 =	sld [smem:$0x3FAF]  }
0x2d: {  	s3 =	simm.s32 $0x108;
	s8 =	sld [smem:$0x3FB0]  }
0x2e: {  	s3 =	simm.s32 @!p0 $0x1082;
	s9 =	sld [smem:$0x3FB1]  }
0x2f: {  	lr =	sadd.s32 s0, s3;
	s0 =	sld [smem:$0x3FA8]  }
0x30: {  	s3 =	sld [smem:$0x3FAB]  }
0x31: {  	[smem:$0x3FB4] =	sst s10  }
0x32: {  	s10 =	sld [smem:$0x3FB2];
	_ =	sdelay $0x3  }
0x33: {  	p0 =	seq.s32 s10, $0x1;
	s10 =	sld [smem:$0x3FB4];
	_ =	sdelay $0x3  }
0x34: {  	[smem:$0x3FB4] =	sst s10  }
0x35: {  	s10 =	sld [smem:$0x3FB3];
	_ =	sdelay $0x3  }
0x36: {  	p1 =	seq.s32 s10, $0x1;
	s10 =	sld [smem:$0x3FB4];
	_ =	sdelay $0x3  }
0x37: {  	[smem:$0x3FB4] =	sst s10  }
0x38: {  	s10 =	sld [smem:$0x3FB5]  }
0x39: {  	_ = 	snop;
	(pc) =	sbr.ind lr, $3  }
0x3a: {  	_ = 	snop  }
0x3b: {  	_ = 	snop  }
0x3c: {  	p2 =	seq.s32 s10, $0x1;
	s10 =	sld [smem:$0x3FB4]  }
0x3d: {  	_ =	shalt  }
0x3e: {  	_ =	shalt  }
0x3f: {  	_ =	shalt  }
0x40: {  	_ =	shalt  }
0x41: {  	_ =	shalt  }
0x42: {  	_ =	shalt  }
0x43: {  	_ =	shalt  }
0x44: {  	_ =	shalt  }
0x45: {  	_ =	shalt  }
0x46: {  	_ =	shalt  }
0x47: {  	_ =	shalt  }
0x48: {  	_ =	shalt  }
0x49: {  	_ =	shalt  }
0x4a: {  	_ =	shalt  }
0x4b: {  	_ =	shalt  }
0x4c: {  	_ =	shalt  }
0x4d: {  	_ =	shalt  }
0x4e: {  	_ =	shalt  }
0x4f: {  	_ =	shalt  }
0x50: {  	_ =	shalt  }
0x51: {  	_ =	shalt  }
0x52: {  	_ =	shalt  }
0x53: {  	_ =	shalt  }
0x54: {  	_ =	shalt  }
0x55: {  	_ =	shalt  }
0x56: {  	_ =	shalt  }
0x57: {  	_ =	shalt  }
0x58: {  	_ =	shalt  }
0x59: {  	_ =	shalt  }
0x5a: {  	_ =	shalt  }
0x5b: {  	_ =	shalt  }
0x5c: {  	_ =	shalt  }
0x5d: {  	_ =	shalt  }
0x5e: {  	_ =	shalt  }
0x5f: {  	_ =	shalt  }
0x60: {  	_ =	shalt  }
0x61: {  	_ =	shalt  }
0x62: {  	_ =	shalt  }
0x63: {  	_ =	shalt  }
0x64: {  	_ =	shalt  }
0x65: {  	_ =	shalt  }
0x66: {  	_ =	shalt  }
0x67: {  	_ =	shalt  }
0x68: {  	_ =	shalt  }
0x69: {  	_ =	shalt  }
0x6a: {  	_ =	shalt  }
0x6b: {  	_ =	shalt  }
0x6c: {  	_ =	shalt  }
0x6d: {  	_ =	shalt  }
0x6e: {  	_ =	shalt  }
0x6f: {  	_ =	shalt  }
0x70: {  	_ =	shalt  }
0x71: {  	_ =	shalt  }
0x72: {  	_ =	shalt  }
0x73: {  	_ =	shalt  }
0x74: {  	_ =	shalt  }
0x75: {  	_ =	shalt  }
0x76: {  	_ =	shalt  }
0x77: {  	_ =	shalt  }
0x78: {  	_ =	shalt  }
0x79: {  	_ =	shalt  }
0x7a: {  	_ =	shalt  }
0x7b: {  	_ =	shalt  }
0x7c: {  	_ =	shalt  }
0x7d: {  	_ =	shalt  }
0x7e: {  	_ =	shalt  }
0x7f: {  	_ =	shalt  }
0x80: {  	_ =	shalt  }
0x81: {  	_ =	shalt  }
0x82: {  	_ =	shalt  }
0x83: {  	_ =	shalt  }
0x84: {  	_ =	shalt  }
0x85: {  	_ =	shalt  }
0x86: {  	_ =	shalt  }
0x87: {  	_ =	shalt  }
.Lfunc_end0:
.L_simem_size_0:
called_computation_lowered:
.L_overlay_start_0:
0x88: {  	s2 =	sld [smem:$0x3FD9]  }
0x89: {  	s3 =	sld [smem:$0x3FFE];
	_ =	sdelay $0x1  }
0x8a: {  	s1 =	srdreg.scid  }
0x8b: {  	s0 =	sand.u32 $0x1, s1  }
0x8c: {  	s17 =	sshll.u32 s0, $0xA;
	s2 =	sadd.s32 s3, s2  }
0x8d: {  	s2 =	sadd.s32 s2, s17  }
0x8e: {  	[smem:$0x3FC0] =	sst s2  }
0x8f: {  	_ = 	snop  }
0x90: {  	s2 =	sld [smem:$0x3FD0];
	(tm) =	ssettm $0x1  }
0x91: {  	s18 =	sld [smem:$0x3FFB];
	_ =	sdelay $0x3  }
0x92: {  	_ =	strace s18  }
0x93: {  	s3 =	sld [smem:$0x3FFC];
	_ =	sdelay $0x3  }
0x94: {  	_ =	strace s3  }
0x95: {  	s3 =	sld [smem:$0x3FFD];
	_ =	sdelay $0x3  }
0x96: {  	_ =	strace s3  }
0x97: {  	_ =	strace $0x8FFFFFFF  }
0x98: {  	s19 =	sld [smem:$0x3FDB];
	_ =	sdelay $0x1  }
0x99: {  	s4 =	simm.s32 $_scs_section_size  }
0x9a: {  	s5 =	simm.s32 $_size__tile_overlayer_lowered;
	s6 =	simm.s32 $_tile_overlayer_lowered  }
0x9b: {  	s22 =	simm.s32 $0x1BFF;
	s21 =	sshll.u32 s6, $0x1;
	s3 =	sadd.s32 s4, s19  }
0x9c: {  	s7 =	simm.s32 $0x0;
	s20 =	sshll.u32 s5, $0x1;
	s5 =	sadd.s32 s21, s3  }
0x9d: {  	[timem:s7], [sflag:s22] =	dma.local [hbm:s5], s20  }
0x9e: {  	_ =	swait.ge [sflag:s22], s20  }
0x9f: {  	s4 =	ssub.s32 $0x0, s20;
	[sflag:s22] =	ssyncset.done $0x0  }
0xa0: {  	[sflag:s22] =	ssyncadd.s32 s4;
	_ =	sdelay $0x1  }
0xa1: {  	s23 =	simm.s32 $0x1B8B  }
0xa2: {  	_ =	swait.ge [sflag:s23], $0x1  }
0xa3: {  	[sflag:s23] =	ssyncset.done $0x0  }
0xa4: {  	s25 =	simm.s32 $0x1B8E;
	s24 =	sld [smem:$0x3FFE];
	[sflag:s23] =	ssyncadd.s32 $0xFFFFFFFF  }
0xa5: {  	s26 =	simm.s32 $execute0_lowered;
	[smem:$0x3FD2] =	sst s25  }
0xa6: {  	s5 =	sshll.u32 s26, $0x1;
	_ =	strace $0x80000046;
	[dreg:$0x1] =	wrdreg $0xFFFFFFFF  }
0xa7: {  	s28 =	simm.s32 $_size_execute0_lowered;
	s3 =	sadd.s32 s3, s5;
	[dreg:$0x0] =	wrdreg $0x0  }
0xa8: {  	s5 =	sshll.u32 s28, $0x1;
	[dreg:$0x2] =	wrdreg s3  }
0xa9: {  	[dreg:$0x3] =	wrdreg s5  }
0xaa: {  	[dreg:$0x4] =	wrdreg $0xC0  }
0xab: {  	_ =	task [dreg:s7], $0x5FFFF  }
0xac: {  	[dreg:$0x1] =	wrdreg $0xFFFFFFFF  }
0xad: {  	[dreg:$0x0] =	wrdreg $0x60  }
0xae: {  	[dreg:$0x2] =	wrdreg s24  }
0xaf: {  	[dreg:$0x3] =	wrdreg s2  }
0xb0: {  	[dreg:$0x4] =	wrdreg $0x9  }
0xb1: {  	_ =	task.clear_ibuf [dreg:s7], $0x5FFFF;
	_ =	strace $0x90000046  }
0xb2: {  	s29 =	simm.s32 $0x9;
	_ =	strace $0x80000048  }
0xb3: {  	_ =	swait.ge [sflag:s29], $0x1  }
0xb4: {  	[sflag:s29] =	ssyncadd.s32 $0xFFFFFFFF  }
0xb5: {  	_ =	strace $0x90000048  }
0xb6: {  	_ =	sfence  }
0xb7: {  	s30 =	sld [smem:$0x0];
	_ =	sdelay $0x2  }
0xb8: {  	s31 =	sshll.u32 s1, $0xD;
	s1 =	sshrl.u32 s1, $0x2  }
0xb9: {  	s3 =	sand.u32 $0x4000, s31;
	s1 =	sadd.s32 s1, s30  }
0xba: {  	s0 =	sor.u32 s3, s0;
	s1 =	sshll.u32 s1, $0x11  }
0xbb: {  	s0 =	sor.u32 s1, s0  }
0xbc: {  	s0 =	sadd.s32 $0x8F2B, s0  }
0xbd: {  	[sflag:s0] =	ssyncadd.remote.s32 $0x1  }
0xbe: {  	_ =	sfence.sel $0xFFFF  }
0xbf: {  	[dreg:$0x0] =	wrdreg $0xFFFFFFFF;
	(pc) =	sbr.abs _section_cstart, $3  }
0xc0: {  	[dreg:$0x1] =	wrdreg $0xFFFFFFFF  }
0xc1: {  	_ =	task.clear_ibuf [dreg:s7], $0x2FFFF;
	_ =	strace $0x9FFFFFFF  }
0xc2: {  	(tm) =	ssettm $0x7FFFFFFF  }
0xc3: {  	_ =	shalt  }
tec
execute0_lowered:
.L_overlay_start_1:
0x0: {  	(tag) =	ssettag $0x1  }
0x1: {  	s3 =	rddreg [dreg:$0x0]  }
0x2: {  	s1 =	srdreg.scid;
	s0 =	stileid.u32  }
0x3: {  	s5 =	rddreg [dreg:$0x1];
	s2 =	simm.s32 $0x0;
	s10 =	simm.s32 $0x80  }
0x4: {  	s11 =	simm.s32 $0x400;
	s12 =	simm.s32 $0x3;
	s13 =	simm.s32 $0x0  }
0x5: {  	s4 =	sand.u32 $0x1, s1;
	s6 =	sshll.u32 s0, $0x1;
	s1 =	rddreg [dreg:$0x2]  }
0x6: {  	[smem:$0x7FF] =	sst s2;
	s8 =	sshrl.u32 s0, $0x2;
	s6 =	sor.u32 s4, s6  }
0x7: {  	_ =	strace $0x80000047;
	s8 =	smul.u32 $0x13C00, s8;
	s4 =	ssub.s32 $0x2, s4  }
0x8: {  	s7 =	smul.u32 $0x4E2, s6;
	s6 =	sshll.u32 s6, $0x7;
	s9 =	sshrl.u32 s4, $0x1  }
0x9: {  	s6 =	sand.u32 $0x380, s6;
	s31 =	ssub.s32 s4, s9;
	s9 =	simm.s32 $0x2  }
0xa: {  	s7 =	sadd.s32 s7, s3;
	s3 =	sadd.s32 $0xCC00, s3;
	s6 =	sor.u32 s8, s6  }
0xb: {  	s8 =	simm.s32 $0x1;
	s4 =	sadd.s32 $0x2E00, s7;
	s6 =	sshrl.u32 s6, $0x3  }
0xc: {  	v0 =	vimm.f32 $1.000000000e+00;
	s7 =	simm.s32 $0x2780;
	s5 =	sadd.s32 s5, s6;
	s6 =	smax.u32 s31, $0x1  }
.LBB2_1:
0xd: {  	[tilespmem:s2], [sflag:$0x1] =	stream.linear.gather [hbm4b:s4+s2], $0x2710, $0x38;
	[tilespmem:$0x4F00] =	vst v63  }
0xe: {  	_ = 	snop  }
0xf: {  	[tilespmem:s7], [sflag:$0x2] =	stream.linear.gather [hbm4b:s3+s2], $0x2780, $0x38;
	[tilespmem:$0x4F00] =	vst v63  }
0x10: {  	_ =	swait.ge [sflag:s8], $0x2710  }
0x11: {  	[sflag:s8] =	ssyncset.done $0x0  }
0x12: {  	[sflag:s8] =	ssyncadd.s32 $0xFFFFD8F0  }
0x13: {  	_ =	swait.ge [sflag:s9], $0x2780  }
0x14: {  	[sflag:s9] =	ssyncset.done $0x0  }
0x15: {  	s14 =	simm.s32 $0x0;
	[sflag:s9] =	ssyncadd.s32 $0xFFFFD880  }
.LBB2_2:
0x16: {  	s15 =	sshra.s32 s14, $0x2  }
0x17: {  	v1 =	vld [tilespmem:s15+$0x0];
	_ =	sdelay $0x7  }
0x18: {  	[tilespmem:v1+s7+$0x0] =	vst.idx.add.f32.msk $0xffff, v0  }
0x19: {  	v1 =	vld [tilespmem:s15+$0x10];
	_ =	sdelay $0x7  }
0x1a: {  	[tilespmem:v1+s7+$0x0] =	vst.idx.add.f32.msk $0xffff, v0  }
0x1b: {  	v1 =	vld [tilespmem:s15+$0x20];
	_ =	sdelay $0x7  }
0x1c: {  	[tilespmem:v1+s7+$0x0] =	vst.idx.add.f32.msk $0xffff, v0  }
0x1d: {  	v1 =	vld [tilespmem:s15+$0x30];
	_ =	sdelay $0x7  }
0x1e: {  	[tilespmem:v1+s7+$0x0] =	vst.idx.add.f32.msk $0xffff, v0  }
0x1f: {  	v1 =	vld [tilespmem:s15+$0x40];
	_ =	sdelay $0x2  }
0x20: {  	p0 =	sne.s32 s14, $0x9B00  }
.Ltmp0:
0x21: {  	_ = 	snop;
	(pc) =	sbr.rel @p0 .LBB2_2-.Ltmp0, $2  }
0x22: {  	_ =	sdelay $0x2  }
0x23: {  	s14 =	sadd.s32 $0x140, s14;
	[tilespmem:v1+s7+$0x0] =	vst.idx.add.f32.msk $0xffff, v0  }
0x24: {  	s13 =	sadd.s32 $0x1, s13  }
0x25: {  	p0 =	sne.s32 s13, s6  }
.Ltmp1:
0x26: {  	_ = 	snop;
	(pc) =	sbr.rel @p0 .LBB2_1-.Ltmp1, $4  }
0x27: {  	[hbm4b:s5+s10] =	stream.strided.scatter [tilespmem:s7], [sflag:$0x3], $0x2780, s11, s10, $0x38;
	[tilespmem:$0x4F00] =	vst v63  }
0x28: {  	_ =	swait.ge [sflag:s12], $0x2780  }
0x29: {  	[sflag:s12] =	ssyncset.done $0x0  }
0x2a: {  	[sflag:s12] =	ssyncadd.s32 $0xFFFFD880  }
0x2b: {  	_ =	sfence.sel $0x180000  }
0x2c: {  	[bflag:$0x0] =	sbarrier.arrive $0xFFFF  }
0x2d: {  	p0 =	sne.s32 s0, $0x0;
	_ =	strace $0x90000047  }
0x2e: {  	s0 =	sadd.s32 @!p0 $0x100000, s1;
	[bflag:$0x2] =	sbarrier.arrive $0xFFFF  }
0x2f: {  	[sflag:s0] =	ssyncadd.tile.s32 @!p0 $0x1;
	_ =	shalt  }
.Lfunc_end2:
_tile_overlayer_lowered:
.L_overlay_start_2:
0x30: {  	(tag) =	ssettag $0x2  }
0x31: {  	s0 =	rddreg [dreg:$0x0];
	s2 =	stileid.u32  }
0x32: {  	s1 =	rddreg [dreg:$0x1];
	p0 =	sne.s32 s2, $0x0  }
0x33: {  	s3 =	rddreg [dreg:$0x2];
	[bflag:$0x3] =	sbarrier.arrive $0xFFFF;
	s2 =	simm.s32 @!p0 $0x1C03  }
0x34: {  	[timem:s3], [sflag:s2] =	dma.local @!p0 [hbm:s0], s1  }
0x35: {  	s0 =	simm.s32 @!p0 $0x3  }
0x36: {  	_ =	swait.ge @!p0 [sflag:s0], s1  }
0x37: {  	s1 =	ssub.s32 @!p0 $0x0, s1;
	[sflag:s0] =	ssyncset.done @!p0 $0x0  }
0x38: {  	[sflag:s0] =	ssyncadd.s32 @!p0 s1  }
0x39: {  	[bflag:$0x3] =	sbarrier.arrive $0xFFFF  }
0x3a: {  	_ =	shalt  }

</sc_bundles>
